<compile_context>
chip_gen: v7x
topology: tpu7x:2x2x1
jax: 0.10.2.dev20260603
libtpu: 0.0.44.dev20260713+nightly
codegen_flags: <defaults>
</compile_context>

<pallas_src>
import functools

import jax
import jax.numpy as jnp
from jax.experimental import pallas as pl
from jax.experimental.pallas import tpu as pltpu
from jax.experimental.pallas import tpu_sc as plsc

N = 1024
E = 16384
EB = 1024
NBLK = E // EB
CH = 256
NCH = N // CH

_f32 = jnp.float32
_bf16 = jnp.bfloat16


def _bdot(a, b, dims=None):
    if dims is None:
        dims = (((a.ndim - 1,), (0,)), ((), ()))
    return jax.lax.dot_general(a.astype(_bf16), b.astype(_bf16), dims,
                               preferred_element_type=_f32)


def _split3(v):
    hi = v.astype(_bf16)
    mid = (v - hi.astype(_f32)).astype(_bf16)
    lo = (v - hi.astype(_f32) - mid.astype(_f32)).astype(_bf16)
    return hi, mid, lo


def _dot3(ab, parts):
    d = lambda x: jax.lax.dot_general(ab, x, (((1,), (0,)), ((), ())),
                                      preferred_element_type=_f32)
    return d(parts[0]) + d(parts[1]) + d(parts[2])



_ROWS = 64
_ECH = 1024
_CHK = 2048


def _sc_adj_kernel(dst_hbm, src_hbm, eat_hbm, z_hbm, A_hbm, sea_hbm,
                   dv, sv, ablk, eat, seap):
    g = jax.lax.axis_index("c")
    sid = jax.lax.axis_index("s")
    lo = sid * _ROWS

    ones16 = jnp.ones((16,), _f32)

    pltpu.sync_copy(z_hbm, ablk)
    pltpu.sync_copy(z_hbm.at[pl.ds(0, N * 16)], seap)
    pltpu.sync_copy(dst_hbm.at[g], dv)
    pltpu.sync_copy(src_hbm.at[g], sv)

    def body(i, carry):
        d = dv[pl.ds(i * 16, 16)]
        s_ = sv[pl.ds(i * 16, 16)]
        mask = (d >= lo) & (d < lo + _ROWS)
        flat = jnp.where(mask, (d - lo) * N + s_, 0)
        plsc.addupdate_scatter(ablk, [flat], ones16, mask=mask)
        return carry

    jax.lax.fori_loop(0, E // 16, body, 0)
    pltpu.sync_copy(ablk, A_hbm.at[g, pl.ds(lo * N, _ROWS * N)])

    for half in range(2):
        pltpu.sync_copy(
            eat_hbm.at[g, :, pl.ds(sid * _ECH + half * (_ECH // 2),
                                   _ECH // 2)], eat)

        def ebody(v, carry):
            d16 = dv[pl.ds(sid * _ECH + half * (_ECH // 2) + v * 16, 16)]
            base = d16 * 16
            for m in range(16):
                vals = eat[m, pl.ds(v * 16, 16)]
                plsc.addupdate_scatter(seap, [base + m], vals)
            return carry

        jax.lax.fori_loop(0, _ECH // 2 // 16, ebody, 0)
    pltpu.sync_copy(seap, sea_hbm.at[g, sid])


def _build_adj_sc(dst, src, ea_t):
    mesh = plsc.VectorSubcoreMesh(core_axis_name="c", subcore_axis_name="s")
    run = functools.partial(
        pl.kernel,
        mesh=mesh,
        compiler_params=pltpu.CompilerParams(needs_layout_passes=False),
        out_type=[
            jax.ShapeDtypeStruct((2, N * N), _f32),
            jax.ShapeDtypeStruct((2, 16, N * 16), _f32),
        ],
        scratch_types=[
            pltpu.VMEM((E,), jnp.int32),
            pltpu.VMEM((E,), jnp.int32),
            pltpu.VMEM((_ROWS * N,), _f32),
            pltpu.VMEM((16, _ECH // 2), _f32),
            pltpu.VMEM((N * 16,), _f32),
        ],
    )(_sc_adj_kernel)
    zeros = jnp.zeros((_ROWS * N,), _f32)
    A_flat, sea_parts = run(dst, src, ea_t, zeros)
    return A_flat.reshape(2, N, N), sea_parts.reshape(2, 16, N, 16)



def _adj_build_kernel(dst_ref, src_ref, ea_blk_ref, A_ref, sea_ref):
    j = pl.program_id(1)
    dst = dst_ref[0, 0, 0, :]
    src = src_ref[0, 0, 0, :]
    od = (jax.lax.broadcasted_iota(jnp.int32, (N, EB), 0)
          == dst[None, :]).astype(_bf16)
    os_ = (jax.lax.broadcasted_iota(jnp.int32, (EB, N), 1)
           == src[:, None]).astype(_bf16)
    contrib = jax.lax.dot_general(od, os_, (((1,), (0,)), ((), ())),
                                  preferred_element_type=_f32)
    sea_contrib = jax.lax.dot_general(
        od, ea_blk_ref[0, 0].astype(_bf16), (((1,), (0,)), ((), ())),
        preferred_element_type=_f32)

    @pl.when(j == 0)
    def _():
        A_ref[0] = contrib.astype(_bf16)
        sea_ref[0] = sea_contrib

    @pl.when(j > 0)
    def _():
        A_ref[0] = (A_ref[0].astype(_f32) + contrib).astype(_bf16)
        sea_ref[0] += sea_contrib


def _build_adj(dst_all, src_all, ea_all):
    return pl.pallas_call(
        _adj_build_kernel,
        grid=(2, NBLK),
        in_specs=[
            pl.BlockSpec((1, 1, 1, EB), lambda g, j: (g, j, 0, 0)),
            pl.BlockSpec((1, 1, 1, EB), lambda g, j: (g, j, 0, 0)),
            pl.BlockSpec((1, 1, EB, 16), lambda g, j: (g, j, 0, 0)),
        ],
        out_specs=[
            pl.BlockSpec((1, N, N), lambda g, j: (g, 0, 0)),
            pl.BlockSpec((1, N, 16), lambda g, j: (g, 0, 0)),
        ],
        out_shape=[
            jax.ShapeDtypeStruct((2, N, N), _bf16),
            jax.ShapeDtypeStruct((2, N, 16), _f32),
        ],
    )(dst_all, src_all, ea_all)


def _ea_kernel(sea_ref, W1e_ref, W2e_ref, ea1_ref, ea2_ref):
    parts = _split3(jnp.sum(sea_ref[0], axis=0))
    w1 = W1e_ref[...].astype(_bf16)
    w2 = W2e_ref[...].astype(_bf16)

    def d3(w):
        d = lambda p: jax.lax.dot_general(p, w, (((1,), (0,)), ((), ())),
                                          preferred_element_type=_f32)
        return d(parts[0]) + d(parts[1]) + d(parts[2])

    ea1_ref[0] = d3(w1)
    ea2_ref[0] = d3(w2)


def _ea_call(sea, W1e, W2e):
    return pl.pallas_call(
        _ea_kernel,
        grid=(2,),
        in_specs=[
            pl.BlockSpec((1, 16, N, 16), lambda g: (g, 0, 0, 0)),
            pl.BlockSpec((16, 128), lambda g: (0, 0)),
            pl.BlockSpec((16, 16), lambda g: (0, 0)),
        ],
        out_specs=[
            pl.BlockSpec((1, N, 128), lambda g: (g, 0, 0)),
            pl.BlockSpec((1, N, 16), lambda g: (g, 0, 0)),
        ],
        out_shape=[
            jax.ShapeDtypeStruct((2, N, 128), _f32),
            jax.ShapeDtypeStruct((2, N, 16), _f32),
        ],
    )(sea, W1e, W2e)



def _gnn_kernel(x_ref, A_ref, ea_ref, Wself_ref, Wmsg_ref, b_ref, h_ref):
    c = pl.program_id(1)
    pre_parts = _split3(_bdot(x_ref[0], Wmsg_ref[...]))
    agg = _dot3(A_ref[0], pre_parts)
    xr = x_ref[0, pl.ds(c * CH, CH), :]
    h_ref[0] = jax.nn.relu(_bdot(xr, Wself_ref[...]) + agg
                           + ea_ref[0] + b_ref[...])


def _gnn_call(x_all, A, ea, Wself, Wmsg, b_row, width):
    return pl.pallas_call(
        _gnn_kernel,
        grid=(2, NCH),
        in_specs=[
            pl.BlockSpec((1, N, width), lambda g, c: (g, 0, 0)),
            pl.BlockSpec((1, CH, N), lambda g, c: (g, c, 0)),
            pl.BlockSpec((1, CH, width), lambda g, c: (g, c, 0)),
            pl.BlockSpec((width, width), lambda g, c: (0, 0)),
            pl.BlockSpec((width, width), lambda g, c: (0, 0)),
            pl.BlockSpec((1, width), lambda g, c: (0, 0)),
        ],
        out_specs=pl.BlockSpec((1, CH, width), lambda g, c: (g, c, 0)),
        out_shape=jax.ShapeDtypeStruct((2, N, width), _f32),
    )(x_all, A, ea, Wself, Wmsg, b_row)



def _shat_init_kernel(hs_ref, ht_ref, xs0_ref, xt0_ref, shat_ref):
    shat_ref[...] = (_bdot(hs_ref[0], ht_ref[0], (((1,), (1,)), ((), ())))
                     - 2.0 * (xs0_ref[...] * xt0_ref[...]))


def _shat_init(h, xs0, xt0):
    return pl.pallas_call(
        _shat_init_kernel,
        grid=(NCH,),
        in_specs=[
            pl.BlockSpec((1, CH, 128), lambda c: (0, c, 0)),
            pl.BlockSpec((1, N, 128), lambda c: (1, 0, 0)),
            pl.BlockSpec((CH, 1), lambda c: (c, 0)),
            pl.BlockSpec((1, N), lambda c: (0, 0)),
        ],
        out_specs=pl.BlockSpec((CH, N), lambda c: (c, 0)),
        out_shape=jax.ShapeDtypeStruct((N, N), _f32),
    )(h, h, xs0, xt0)



def _softmax_rt_kernel(shat_ref, r_ref, S_ref, rt_ref):
    c = pl.program_id(0)
    sh = shat_ref[...]
    m = jnp.max(sh, axis=-1, keepdims=True)
    e = jnp.exp(sh - m)
    S = e / jnp.sum(e, axis=-1, keepdims=True)
    S_ref[...] = S
    contrib = _bdot(S, r_ref[...], (((0,), (0,)), ((), ())))

    @pl.when(c == 0)
    def _():
        rt_ref[...] = contrib

    @pl.when(c > 0)
    def _():
        rt_ref[...] += contrib


def _softmax_rt(shat, r_step):
    return pl.pallas_call(
        _softmax_rt_kernel,
        grid=(NCH,),
        in_specs=[
            pl.BlockSpec((CH, N), lambda c: (c, 0)),
            pl.BlockSpec((CH, 16), lambda c: (c, 0)),
        ],
        out_specs=[
            pl.BlockSpec((CH, N), lambda c: (c, 0)),
            pl.BlockSpec((N, 16), lambda c: (0, 0)),
        ],
        out_shape=[
            jax.ShapeDtypeStruct((N, N), _f32),
            jax.ShapeDtypeStruct((N, 16), _f32),
        ],
    )(shat, r_step)


def _softmax_kernel(shat_ref, S_ref):
    sh = shat_ref[...]
    m = jnp.max(sh, axis=-1, keepdims=True)
    e = jnp.exp(sh - m)
    S_ref[...] = e / jnp.sum(e, axis=-1, keepdims=True)


def _softmax_call(shat):
    return pl.pallas_call(
        _softmax_kernel,
        grid=(NCH,),
        in_specs=[pl.BlockSpec((CH, N), lambda c: (c, 0))],
        out_specs=pl.BlockSpec((CH, N), lambda c: (c, 0)),
        out_shape=jax.ShapeDtypeStruct((N, N), _f32),
    )(shat)



def _ot_kernel(ot_ref, OT_ref):
    parts = _split3(ot_ref[0])
    row_q = jax.lax.broadcasted_iota(jnp.int32, (128, N), 0)
    col_n = jax.lax.broadcasted_iota(jnp.int32, (128, N), 1)
    OT_ref[...] = jnp.concatenate(
        [_dot3((col_n == 8 * row_q + jj).astype(_bf16), parts)
         for jj in range(8)], axis=1)


def _ot_call(o):
    return pl.pallas_call(
        _ot_kernel,
        in_specs=[pl.BlockSpec((1, N, 16), lambda i: (1, 0, 0))],
        out_specs=pl.BlockSpec((128, 128), lambda i: (0, 0)),
        out_shape=jax.ShapeDtypeStruct((128, 128), _f32),
        grid=(1,),
    )(o)



def _update_kernel(shat_ref, o_ref, OT_ref, M1b_ref, mb1t_ref, M2b_ref,
                   mb2_ref, out_ref):
    macro = pl.program_id(0)
    o_s = o_ref[0]
    ostile = jnp.concatenate([o_s] * 8, axis=1)
    mb1t = mb1t_ref[...]
    parts = []
    for t in range(16):
        OTrow = OT_ref[pl.ds(macro * 16 + t, 1), :]
        D8 = ostile - OTrow
        h8 = jax.nn.relu(_bdot(D8, M1b_ref[...]) + mb1t)
        parts.append(_bdot(h8, M2b_ref[...]))
    out_ref[...] = shat_ref[...] + jnp.concatenate(parts, axis=1) \
        + mb2_ref[0, 0]


def _update_call(shat, o, OT, M1blk, mb1tile, M2blk, mb2_11):
    return pl.pallas_call(
        _update_kernel,
        grid=(8,),
        in_specs=[
            pl.BlockSpec((N, 128), lambda m: (0, m)),
            pl.BlockSpec((1, N, 16), lambda m: (0, 0, 0)),
            pl.BlockSpec((128, 128), lambda m: (0, 0)),
            pl.BlockSpec((128, 128), lambda m: (0, 0)),
            pl.BlockSpec((1, 128), lambda m: (0, 0)),
            pl.BlockSpec((128, 8), lambda m: (0, 0)),
            pl.BlockSpec((1, 1), lambda m: (0, 0)),
        ],
        out_specs=pl.BlockSpec((N, 128), lambda m: (0, m)),
        out_shape=jax.ShapeDtypeStruct((N, N), _f32),
    )(shat, o, OT, M1blk, mb1tile, M2blk, mb2_11)



def kernel(x_s, edge_index_s, edge_attr_s, batch_s, x_t, edge_index_t,
           edge_attr_t, batch_t, W1_self, W1_msg, W1_edge, b1,
           W2_self, W2_msg, W2_edge, b2, M1, mb1, M2, mb2):
    x_all = jnp.stack([x_s[0], x_t[0]])

    dst = jnp.stack([edge_index_s[1], edge_index_t[1]]).astype(jnp.int32)
    src = jnp.stack([edge_index_s[0], edge_index_t[0]]).astype(jnp.int32)
    ea_round = jnp.stack([edge_attr_s, edge_attr_t]).astype(_bf16).astype(_f32)

    A_f32, sea_parts = _build_adj_sc(dst, src, ea_round.transpose(0, 2, 1))
    A = A_f32.astype(_bf16)
    ea1, ea2 = _ea_call(sea_parts, W1_edge, W2_edge)

    h = _gnn_call(x_all, A, ea1, W1_self, W1_msg, b1.reshape(1, -1), 128)
    shat = _shat_init(h, x_s[0, :, 0].reshape(N, 1), x_t[0, :, 0].reshape(1, N))

    rkey = jax.random.key(42)
    r = [jax.random.normal(jax.random.fold_in(rkey, step), (N, 16), _f32)
         for step in range(2)]

    eye8 = jnp.eye(8, dtype=_f32)
    M1blk = jnp.kron(eye8, M1)
    M2blk = jnp.kron(eye8, M2)
    mb1tile = jnp.tile(mb1, (8,)).reshape(1, 128)
    mb2_11 = mb2.reshape(1, 1)

    S0 = None
    for step in range(2):
        S, r_t = _softmax_rt(shat, r[step])
        if step == 0:
            S0 = S
        rst = jnp.stack([r[step], r_t])
        o = _gnn_call(rst, A, ea2, W2_self, W2_msg, b2.reshape(1, -1), 16)
        OT = _ot_call(o)
        shat = _update_call(shat, o, OT, M1blk, mb1tile, M2blk, mb2_11)

    SL = _softmax_call(shat)
    return (S0, SL)

# --- scband reference (transcript-rebuilt; emitter-appended) ---
"""Pipeline reference for scband-hdgmc-50379966382209 (READ-ONLY COPY).

The authoritative reference and input builder live on the scoring server;
editing this copy changes nothing except your own understanding.
"""

import jax, jax.numpy as jnp
import numpy as np

N = 1024
E = 16384
C_IN = 128
C_OUT = 128
R_IN = 16
R_OUT = 16
D_EDGE = 16
NUM_STEPS = 2


def _gnn(x, edge_index, edge_attr, W_self, W_msg, W_edge, b):
    src = edge_index[0]
    dst = edge_index[1]
    msg = x[src] @ W_msg + edge_attr @ W_edge
    agg = jnp.zeros((x.shape[0], W_msg.shape[1]), dtype=x.dtype).at[dst].add(msg)
    return jax.nn.relu(x @ W_self + agg + b)


def _mlp(D, M1, mb1, M2, mb2):
    h = jax.nn.relu(D @ M1 + mb1)
    return (h @ M2 + mb2)[..., 0]


def setup_inputs(seed: int = 0):
    key = jax.random.key(seed)
    ks = jax.random.split(key, 24)
    inp = {}
    inp['x_s'] = jax.random.normal(ks[0], (1, N, C_IN), jnp.float32)
    inp['edge_index_s'] = jax.random.randint(ks[1], (2, E), 0, N)
    inp['edge_attr_s'] = jax.random.normal(ks[2], (E, D_EDGE), jnp.float32)
    inp['batch_s'] = jnp.zeros((N,), jnp.int32)
    inp['x_t'] = jax.random.normal(ks[3], (1, N, C_IN), jnp.float32)
    inp['edge_index_t'] = jax.random.randint(ks[4], (2, E), 0, N)
    inp['edge_attr_t'] = jax.random.normal(ks[5], (E, D_EDGE), jnp.float32)
    inp['batch_t'] = jnp.zeros((N,), jnp.int32)
    inp['W1_self'] = jax.random.normal(ks[6], (C_IN, C_OUT), jnp.float32) / np.sqrt(C_IN)
    inp['W1_msg'] = jax.random.normal(ks[7], (C_IN, C_OUT), jnp.float32) / np.sqrt(C_IN)
    inp['W1_edge'] = jax.random.normal(ks[8], (D_EDGE, C_OUT), jnp.float32) / np.sqrt(D_EDGE)
    inp['b1'] = jnp.zeros((C_OUT,), jnp.float32)
    inp['W2_self'] = jax.random.normal(ks[9], (R_IN, R_OUT), jnp.float32) / np.sqrt(R_IN)
    inp['W2_msg'] = jax.random.normal(ks[10], (R_IN, R_OUT), jnp.float32) / np.sqrt(R_IN)
    inp['W2_edge'] = jax.random.normal(ks[11], (D_EDGE, R_OUT), jnp.float32) / np.sqrt(D_EDGE)
    inp['b2'] = jnp.zeros((R_OUT,), jnp.float32)
    inp['M1'] = jax.random.normal(ks[12], (R_OUT, R_OUT), jnp.float32) / np.sqrt(R_OUT)
    inp['mb1'] = jnp.zeros((R_OUT,), jnp.float32)
    inp['M2'] = jax.random.normal(ks[13], (R_OUT, 1), jnp.float32) / np.sqrt(R_OUT)
    inp['mb2'] = jnp.zeros((1,), jnp.float32)
    return inp


def reference(x_s, edge_index_s, edge_attr_s, batch_s, x_t, edge_index_t, edge_attr_t, batch_t,
              W1_self, W1_msg, W1_edge, b1, W2_self, W2_msg, W2_edge, b2, M1, mb1, M2, mb2):
    # psi_1 local node embeddings
    h_s = _gnn(x_s[0], edge_index_s, edge_attr_s, W1_self, W1_msg, W1_edge, b1)[None]
    h_t = _gnn(x_t[0], edge_index_t, edge_attr_t, W1_self, W1_msg, W1_edge, b1)[None]
    # single full graph per batch slot -> s_mask/t_mask are all-True, so
    # masked_softmax == softmax and masked_fill is a no-op.
    S_hat = h_s @ jnp.swapaxes(h_t, -1, -2) - 2.0 * jnp.einsum('bi,bj->bij', x_s[..., :, 0], x_t[..., :, 0])
    S_0 = jax.nn.softmax(S_hat, axis=-1)[0]
    rkey = jax.random.key(42)
    for step in range(NUM_STEPS):
        S = jax.nn.softmax(S_hat, axis=-1)
        r_s = jax.random.normal(jax.random.fold_in(rkey, step), (1, N, R_IN), jnp.float32)
        r_t = jnp.swapaxes(S, -1, -2) @ r_s
        o_s = _gnn(r_s[0], edge_index_s, edge_attr_s, W2_self, W2_msg, W2_edge, b2)
        o_t = _gnn(r_t[0], edge_index_t, edge_attr_t, W2_self, W2_msg, W2_edge, b2)
        D = o_s[None, :, None, :] - o_t[None, None, :, :]
        S_hat = S_hat + _mlp(D, M1, mb1, M2, mb2)
    S_L = jax.nn.softmax(S_hat, axis=-1)[0]
    return (S_0, S_L)

if __name__ == "__main__":
    import jax
    _d = setup_inputs()
    print(jax.jit(kernel)(*tuple(_d.values())))

</pallas_src>

<mosaic_0001>
#map = affine_map<(d0, d1) -> (0, 0)>
#map1 = affine_map<(d0, d1) -> (0, 0, 0)>
#map2 = affine_map<(d0, d1) -> (0)>
module attributes {stable_mosaic.version = 14 : i64} {
  func.func @_sc_adj_kernel(%arg0: i32, %arg1: i32, %arg2: memref<2x16384xi32, #tpu.memory_space<hbm>>, %arg3: memref<2x16384xi32, #tpu.memory_space<hbm>>, %arg4: memref<2x16x16384xf32, #tpu.memory_space<hbm>>, %arg5: memref<65536xf32, #tpu.memory_space<hbm>>, %arg6: memref<2x1048576xf32, #tpu.memory_space<hbm>>, %arg7: memref<2x16x16384xf32, #tpu.memory_space<hbm>>, %arg8: memref<16384xi32, #tpu.memory_space<vmem>>, %arg9: memref<16384xi32, #tpu.memory_space<vmem>>, %arg10: memref<65536xf32, #tpu.memory_space<vmem>>, %arg11: memref<16x512xf32, #tpu.memory_space<vmem>>, %arg12: memref<16384xf32, #tpu.memory_space<vmem>>) attributes {dimension_semantics = [#tpu.dimension_semantics<core_parallel>, #tpu.dimension_semantics<subcore_parallel>], iteration_bounds = array<i64: 2, 16>, scalar_prefetch = 0 : i64, scratch_operands = 5 : i64, tpu.core_type = #tpu.core_type<sc_vector_subcore>, window_params = [{transform_indices = #map}, {transform_indices = #map}, {transform_indices = #map1}, {transform_indices = #map2}, {transform_indices = #map}, {transform_indices = #map1}]} {
    %mul3A = arith.constant 64 : i32
    %mul3A_0 = arith.muli %arg1, %mul3A : i32
    %broadcast_in_dim3A = arith.constant 1.000000e+00 : f32
    %broadcast_in_dim3A_1 = vector.broadcast %broadcast_in_dim3A : f32 to vector<16xf32>
    "tpu.region"() ({
      %run_scoped3A = tpu.sem_alloc : memref<!tpu.dma_semaphore, #tpu.memory_space<semaphore_mem>>
      tpu.enqueue_dma source(%arg5 : memref<65536xf32, #tpu.memory_space<hbm>>) target(%arg10 : memref<65536xf32, #tpu.memory_space<vmem>>) target_semaphore(%run_scoped3A : memref<!tpu.dma_semaphore, #tpu.memory_space<semaphore_mem>>)
      tpu.wait_dma2 semaphore(%run_scoped3A : memref<!tpu.dma_semaphore, #tpu.memory_space<semaphore_mem>>) src(%arg5 : memref<65536xf32, #tpu.memory_space<hbm>>) dst(%arg10 : memref<65536xf32, #tpu.memory_space<vmem>>)
      tpu.yield
    }) : () -> ()
    "tpu.region"() ({
      %run_scoped3A = tpu.sem_alloc : memref<!tpu.dma_semaphore, #tpu.memory_space<semaphore_mem>>
      %dma_start3A = arith.constant 0 : i32
      %dma_start3A_28 = tpu.memref_slice %arg5[%dma_start3A] : memref<65536xf32, #tpu.memory_space<hbm>> -> memref<16384xf32, #tpu.memory_space<hbm>>
      %dma_start3A_29 = arith.constant 0 : i32
      %dma_start3A_30 = tpu.memref_slice %arg5[%dma_start3A_29] : memref<65536xf32, #tpu.memory_space<hbm>> -> memref<16384xf32, #tpu.memory_space<hbm>>
      tpu.enqueue_dma source(%dma_start3A_30 : memref<16384xf32, #tpu.memory_space<hbm>>) target(%arg12 : memref<16384xf32, #tpu.memory_space<vmem>>) target_semaphore(%run_scoped3A : memref<!tpu.dma_semaphore, #tpu.memory_space<semaphore_mem>>)
      %dma_wait3A = arith.constant 0 : i32
      %dma_wait3A_31 = tpu.memref_slice %arg5[%dma_wait3A] : memref<65536xf32, #tpu.memory_space<hbm>> -> memref<16384xf32, #tpu.memory_space<hbm>>
      %dma_wait3A_32 = arith.constant 0 : i32
      %dma_wait3A_33 = tpu.memref_slice %arg5[%dma_wait3A_32] : memref<65536xf32, #tpu.memory_space<hbm>> -> memref<16384xf32, #tpu.memory_space<hbm>>
      tpu.wait_dma2 semaphore(%run_scoped3A : memref<!tpu.dma_semaphore, #tpu.memory_space<semaphore_mem>>) src(%dma_wait3A_33 : memref<16384xf32, #tpu.memory_space<hbm>>) dst(%arg12 : memref<16384xf32, #tpu.memory_space<vmem>>)
      tpu.yield
    }) : () -> ()
    "tpu.region"() ({
      %run_scoped3A = tpu.sem_alloc : memref<!tpu.dma_semaphore, #tpu.memory_space<semaphore_mem>>
      %dma_start3A = arith.constant 0 : i32
      %dma_start3A_28 = tpu.memref_slice %arg2[%arg0, %dma_start3A] : memref<2x16384xi32, #tpu.memory_space<hbm>> -> memref<1x16384xi32, #tpu.memory_space<hbm>>
      %dma_start3A_29 = tpu.memref_squeeze %dma_start3A_28 : memref<1x16384xi32, #tpu.memory_space<hbm>> -> memref<16384xi32, #tpu.memory_space<hbm>>
      %dma_start3A_30 = arith.constant 0 : i32
      %dma_start3A_31 = tpu.memref_slice %arg2[%arg0, %dma_start3A_30] : memref<2x16384xi32, #tpu.memory_space<hbm>> -> memref<1x16384xi32, #tpu.memory_space<hbm>>
      %dma_start3A_32 = tpu.memref_squeeze %dma_start3A_31 : memref<1x16384xi32, #tpu.memory_space<hbm>> -> memref<16384xi32, #tpu.memory_space<hbm>>
      tpu.enqueue_dma source(%dma_start3A_32 : memref<16384xi32, #tpu.memory_space<hbm>>) target(%arg8 : memref<16384xi32, #tpu.memory_space<vmem>>) target_semaphore(%run_scoped3A : memref<!tpu.dma_semaphore, #tpu.memory_space<semaphore_mem>>)
      %dma_wait3A = arith.constant 0 : i32
      %dma_wait3A_33 = tpu.memref_slice %arg2[%arg0, %dma_wait3A] : memref<2x16384xi32, #tpu.memory_space<hbm>> -> memref<1x16384xi32, #tpu.memory_space<hbm>>
      %dma_wait3A_34 = tpu.memref_squeeze %dma_wait3A_33 : memref<1x16384xi32, #tpu.memory_space<hbm>> -> memref<16384xi32, #tpu.memory_space<hbm>>
      %dma_wait3A_35 = arith.constant 0 : i32
      %dma_wait3A_36 = tpu.memref_slice %arg2[%arg0, %dma_wait3A_35] : memref<2x16384xi32, #tpu.memory_space<hbm>> -> memref<1x16384xi32, #tpu.memory_space<hbm>>
      %dma_wait3A_37 = tpu.memref_squeeze %dma_wait3A_36 : memref<1x16384xi32, #tpu.memory_space<hbm>> -> memref<16384xi32, #tpu.memory_space<hbm>>
      tpu.wait_dma2 semaphore(%run_scoped3A : memref<!tpu.dma_semaphore, #tpu.memory_space<semaphore_mem>>) src(%dma_wait3A_37 : memref<16384xi32, #tpu.memory_space<hbm>>) dst(%arg8 : memref<16384xi32, #tpu.memory_space<vmem>>)
      tpu.yield
    }) : () -> ()
    "tpu.region"() ({
      %run_scoped3A = tpu.sem_alloc : memref<!tpu.dma_semaphore, #tpu.memory_space<semaphore_mem>>
      %dma_start3A = arith.constant 0 : i32
      %dma_start3A_28 = tpu.memref_slice %arg3[%arg0, %dma_start3A] : memref<2x16384xi32, #tpu.memory_space<hbm>> -> memref<1x16384xi32, #tpu.memory_space<hbm>>
      %dma_start3A_29 = tpu.memref_squeeze %dma_start3A_28 : memref<1x16384xi32, #tpu.memory_space<hbm>> -> memref<16384xi32, #tpu.memory_space<hbm>>
      %dma_start3A_30 = arith.constant 0 : i32
      %dma_start3A_31 = tpu.memref_slice %arg3[%arg0, %dma_start3A_30] : memref<2x16384xi32, #tpu.memory_space<hbm>> -> memref<1x16384xi32, #tpu.memory_space<hbm>>
      %dma_start3A_32 = tpu.memref_squeeze %dma_start3A_31 : memref<1x16384xi32, #tpu.memory_space<hbm>> -> memref<16384xi32, #tpu.memory_space<hbm>>
      tpu.enqueue_dma source(%dma_start3A_32 : memref<16384xi32, #tpu.memory_space<hbm>>) target(%arg9 : memref<16384xi32, #tpu.memory_space<vmem>>) target_semaphore(%run_scoped3A : memref<!tpu.dma_semaphore, #tpu.memory_space<semaphore_mem>>)
      %dma_wait3A = arith.constant 0 : i32
      %dma_wait3A_33 = tpu.memref_slice %arg3[%arg0, %dma_wait3A] : memref<2x16384xi32, #tpu.memory_space<hbm>> -> memref<1x16384xi32, #tpu.memory_space<hbm>>
      %dma_wait3A_34 = tpu.memref_squeeze %dma_wait3A_33 : memref<1x16384xi32, #tpu.memory_space<hbm>> -> memref<16384xi32, #tpu.memory_space<hbm>>
      %dma_wait3A_35 = arith.constant 0 : i32
      %dma_wait3A_36 = tpu.memref_slice %arg3[%arg0, %dma_wait3A_35] : memref<2x16384xi32, #tpu.memory_space<hbm>> -> memref<1x16384xi32, #tpu.memory_space<hbm>>
      %dma_wait3A_37 = tpu.memref_squeeze %dma_wait3A_36 : memref<1x16384xi32, #tpu.memory_space<hbm>> -> memref<16384xi32, #tpu.memory_space<hbm>>
      tpu.wait_dma2 semaphore(%run_scoped3A : memref<!tpu.dma_semaphore, #tpu.memory_space<semaphore_mem>>) src(%dma_wait3A_37 : memref<16384xi32, #tpu.memory_space<hbm>>) dst(%arg9 : memref<16384xi32, #tpu.memory_space<vmem>>)
      tpu.yield
    }) : () -> ()
    %scan3A = arith.constant 0 : i32
    %scan3A_2 = arith.constant 0 : i32
    %scan3A_3 = arith.constant 1024 : i32
    %scan3A_4 = arith.addi %scan3A_2, %scan3A_3 : i32
    %scan3A_5 = arith.constant 1 : i32
    scf.for %scan3A_28 = %scan3A_2 to %scan3A_4 step %scan3A_5  : i32 {
      %mul3A_29 = arith.constant 16 : i32
      %mul3A_30 = arith.muli %scan3A_28, %mul3A_29 : i32
      %get3A = arith.index_cast %mul3A_30 : i32 to index
      %get3A_31 = tpu.vector_load %arg8[%get3A] {strides = array<i32>} : memref<16384xi32, #tpu.memory_space<vmem>>, vector<16xi32>,
      %mul3A_32 = arith.constant 16 : i32
      %mul3A_33 = arith.muli %scan3A_28, %mul3A_32 : i32
      %get3A_34 = arith.index_cast %mul3A_33 : i32 to index
      %get3A_35 = tpu.vector_load %arg9[%get3A_34] {strides = array<i32>} : memref<16384xi32, #tpu.memory_space<vmem>>, vector<16xi32>,
      %ge3A = vector.broadcast %mul3A_0 : i32 to vector<16xi32>
      %ge3A_36 = arith.cmpi sge, %get3A_31, %ge3A : vector<16xi32>
      %add3A_37 = arith.constant 64 : i32
      %add3A_38 = arith.addi %mul3A_0, %add3A_37 : i32
      %lt3A = vector.broadcast %add3A_38 : i32 to vector<16xi32>
      %lt3A_39 = arith.cmpi slt, %get3A_31, %lt3A : vector<16xi32>
      %and3A = arith.andi %ge3A_36, %lt3A_39 : vector<16xi1>
      %sub3A = vector.broadcast %mul3A_0 : i32 to vector<16xi32>
      %sub3A_40 = arith.subi %get3A_31, %sub3A : vector<16xi32>
      %mul3A_41 = arith.constant 1024 : i32
      %mul3A_42 = vector.broadcast %mul3A_41 : i32 to vector<16xi32>
      %mul3A_43 = arith.muli %sub3A_40, %mul3A_42 : vector<16xi32>
      %add3A_44 = arith.addi %mul3A_43, %get3A_35 : vector<16xi32>
      %jit3A = arith.constant 0 : i32
      %broadcast_in_dim3A_45 = vector.broadcast %jit3A : i32 to vector<16xi32>
      %select_n3A = arith.select %and3A, %add3A_44, %broadcast_in_dim3A_45 : vector<16xi1>, vector<16xi32>
      tpu.vector_store_idx %arg10[%select_n3A], %broadcast_in_dim3A_1 masked %and3A {add = true} : memref<65536xf32, #tpu.memory_space<vmem>>[vector<16xi32>], vector<16xf32>, vector<16xi1>
    }
    %scan3A_6 = arith.constant 1024 : i32
    %mul3A_7 = arith.constant 1024 : i32
    %mul3A_8 = arith.muli %mul3A_0, %mul3A_7 : i32
    "tpu.region"() ({
      %run_scoped3A = tpu.sem_alloc : memref<!tpu.dma_semaphore, #tpu.memory_space<semaphore_mem>>
      %dma_start3A = tpu.memref_slice %arg6[%arg0, %mul3A_8] : memref<2x1048576xf32, #tpu.memory_space<hbm>> -> memref<1x65536xf32, #tpu.memory_space<hbm>>
      %dma_start3A_28 = tpu.memref_squeeze %dma_start3A : memref<1x65536xf32, #tpu.memory_space<hbm>> -> memref<65536xf32, #tpu.memory_space<hbm>>
      %dma_start3A_29 = tpu.memref_slice %arg6[%arg0, %mul3A_8] : memref<2x1048576xf32, #tpu.memory_space<hbm>> -> memref<1x65536xf32, #tpu.memory_space<hbm>>
      %dma_start3A_30 = tpu.memref_squeeze %dma_start3A_29 : memref<1x65536xf32, #tpu.memory_space<hbm>> -> memref<65536xf32, #tpu.memory_space<hbm>>
      tpu.enqueue_dma source(%arg10 : memref<65536xf32, #tpu.memory_space<vmem>>) target(%dma_start3A_30 : memref<65536xf32, #tpu.memory_space<hbm>>) target_semaphore(%run_scoped3A : memref<!tpu.dma_semaphore, #tpu.memory_space<semaphore_mem>>)
      %dma_wait3A = tpu.memref_slice %arg6[%arg0, %mul3A_8] : memref<2x1048576xf32, #tpu.memory_space<hbm>> -> memref<1x65536xf32, #tpu.memory_space<hbm>>
      %dma_wait3A_31 = tpu.memref_squeeze %dma_wait3A : memref<1x65536xf32, #tpu.memory_space<hbm>> -> memref<65536xf32, #tpu.memory_space<hbm>>
      %dma_wait3A_32 = tpu.memref_slice %arg6[%arg0, %mul3A_8] : memref<2x1048576xf32, #tpu.memory_space<hbm>> -> memref<1x65536xf32, #tpu.memory_space<hbm>>
      %dma_wait3A_33 = tpu.memref_squeeze %dma_wait3A_32 : memref<1x65536xf32, #tpu.memory_space<hbm>> -> memref<65536xf32, #tpu.memory_space<hbm>>
      tpu.wait_dma2 semaphore(%run_scoped3A : memref<!tpu.dma_semaphore, #tpu.memory_space<semaphore_mem>>) src(%arg10 : memref<65536xf32, #tpu.memory_space<vmem>>) dst(%dma_wait3A_33 : memref<65536xf32, #tpu.memory_space<hbm>>)
      tpu.yield
    }) : () -> ()
    %mul3A_9 = arith.constant 1024 : i32
    %mul3A_10 = arith.muli %arg1, %mul3A_9 : i32
    %add3A = arith.constant 0 : i32
    %add3A_11 = arith.addi %mul3A_10, %add3A : i32
    "tpu.region"() ({
      %run_scoped3A = tpu.sem_alloc : memref<!tpu.dma_semaphore, #tpu.memory_space<semaphore_mem>>
      %dma_start3A = arith.constant 0 : i32
      %dma_start3A_28 = tpu.memref_slice %arg4[%arg0, %dma_start3A, %add3A_11] : memref<2x16x16384xf32, #tpu.memory_space<hbm>> -> memref<1x16x512xf32, #tpu.memory_space<hbm>>
      %dma_start3A_29 = tpu.memref_squeeze %dma_start3A_28 : memref<1x16x512xf32, #tpu.memory_space<hbm>> -> memref<16x512xf32, #tpu.memory_space<hbm>>
      %dma_start3A_30 = arith.constant 0 : i32
      %dma_start3A_31 = tpu.memref_slice %arg4[%arg0, %dma_start3A_30, %add3A_11] : memref<2x16x16384xf32, #tpu.memory_space<hbm>> -> memref<1x16x512xf32, #tpu.memory_space<hbm>>
      %dma_start3A_32 = tpu.memref_squeeze %dma_start3A_31 : memref<1x16x512xf32, #tpu.memory_space<hbm>> -> memref<16x512xf32, #tpu.memory_space<hbm>>
      tpu.enqueue_dma source(%dma_start3A_32 : memref<16x512xf32, #tpu.memory_space<hbm>>) target(%arg11 : memref<16x512xf32, #tpu.memory_space<vmem>>) target_semaphore(%run_scoped3A : memref<!tpu.dma_semaphore, #tpu.memory_space<semaphore_mem>>)
      %dma_wait3A = arith.constant 0 : i32
      %dma_wait3A_33 = tpu.memref_slice %arg4[%arg0, %dma_wait3A, %add3A_11] : memref<2x16x16384xf32, #tpu.memory_space<hbm>> -> memref<1x16x512xf32, #tpu.memory_space<hbm>>
      %dma_wait3A_34 = tpu.memref_squeeze %dma_wait3A_33 : memref<1x16x512xf32, #tpu.memory_space<hbm>> -> memref<16x512xf32, #tpu.memory_space<hbm>>
      %dma_wait3A_35 = arith.constant 0 : i32
      %dma_wait3A_36 = tpu.memref_slice %arg4[%arg0, %dma_wait3A_35, %add3A_11] : memref<2x16x16384xf32, #tpu.memory_space<hbm>> -> memref<1x16x512xf32, #tpu.memory_space<hbm>>
      %dma_wait3A_37 = tpu.memref_squeeze %dma_wait3A_36 : memref<1x16x512xf32, #tpu.memory_space<hbm>> -> memref<16x512xf32, #tpu.memory_space<hbm>>
      tpu.wait_dma2 semaphore(%run_scoped3A : memref<!tpu.dma_semaphore, #tpu.memory_space<semaphore_mem>>) src(%dma_wait3A_37 : memref<16x512xf32, #tpu.memory_space<hbm>>) dst(%arg11 : memref<16x512xf32, #tpu.memory_space<vmem>>)
      tpu.yield
    }) : () -> ()
    %scan3A_12 = arith.constant 0 : i32
    %scan3A_13 = arith.constant 0 : i32
    %scan3A_14 = arith.constant 32 : i32
    %scan3A_15 = arith.addi %scan3A_13, %scan3A_14 : i32
    %scan3A_16 = arith.constant 1 : i32
    scf.for %scan3A_28 = %scan3A_13 to %scan3A_15 step %scan3A_16  : i32 {
      %mul3A_29 = arith.constant 1024 : i32
      %mul3A_30 = arith.muli %arg1, %mul3A_29 : i32
      %add3A_31 = arith.constant 0 : i32
      %add3A_32 = arith.addi %mul3A_30, %add3A_31 : i32
      %mul3A_33 = arith.constant 16 : i32
      %mul3A_34 = arith.muli %scan3A_28, %mul3A_33 : i32
      %add3A_35 = arith.addi %add3A_32, %mul3A_34 : i32
      %get3A = arith.index_cast %add3A_35 : i32 to index
      %get3A_36 = tpu.vector_load %arg8[%get3A] {strides = array<i32>} : memref<16384xi32, #tpu.memory_space<vmem>>, vector<16xi32>,
      %mul3A_37 = arith.constant 16 : i32
      %mul3A_38 = vector.broadcast %mul3A_37 : i32 to vector<16xi32>
      %mul3A_39 = arith.muli %get3A_36, %mul3A_38 : vector<16xi32>
      %mul3A_40 = arith.constant 16 : i32
      %mul3A_41 = arith.muli %scan3A_28, %mul3A_40 : i32
      %get3A_42 = arith.constant 0 : i32
      %get3A_43 = arith.index_cast %get3A_42 : i32 to index
      %get3A_44 = arith.index_cast %mul3A_41 : i32 to index
      %get3A_45 = tpu.vector_load %arg11[%get3A_43, %get3A_44] {strides = array<i32>} : memref<16x512xf32, #tpu.memory_space<vmem>>, vector<16xf32>,
      %add3A_46 = arith.constant 0 : i32
      %add3A_47 = vector.broadcast %add3A_46 : i32 to vector<16xi32>
      %add3A_48 = arith.addi %mul3A_39, %add3A_47 : vector<16xi32>
      tpu.vector_store_idx %arg12[%add3A_48], %get3A_45 {add = true} : memref<16384xf32, #tpu.memory_space<vmem>>[vector<16xi32>], vector<16xf32>,
      %mul3A_49 = arith.constant 16 : i32
      %mul3A_50 = arith.muli %scan3A_28, %mul3A_49 : i32
      %get3A_51 = arith.constant 1 : i32
      %get3A_52 = arith.index_cast %get3A_51 : i32 to index
      %get3A_53 = arith.index_cast %mul3A_50 : i32 to index
      %get3A_54 = tpu.vector_load %arg11[%get3A_52, %get3A_53] {strides = array<i32>} : memref<16x512xf32, #tpu.memory_space<vmem>>, vector<16xf32>,
      %add3A_55 = arith.constant 1 : i32
      %add3A_56 = vector.broadcast %add3A_55 : i32 to vector<16xi32>
      %add3A_57 = arith.addi %mul3A_39, %add3A_56 : vector<16xi32>
      tpu.vector_store_idx %arg12[%add3A_57], %get3A_54 {add = true} : memref<16384xf32, #tpu.memory_space<vmem>>[vector<16xi32>], vector<16xf32>,
      %mul3A_58 = arith.constant 16 : i32
      %mul3A_59 = arith.muli %scan3A_28, %mul3A_58 : i32
      %get3A_60 = arith.constant 2 : i32
      %get3A_61 = arith.index_cast %get3A_60 : i32 to index
      %get3A_62 = arith.index_cast %mul3A_59 : i32 to index
      %get3A_63 = tpu.vector_load %arg11[%get3A_61, %get3A_62] {strides = array<i32>} : memref<16x512xf32, #tpu.memory_space<vmem>>, vector<16xf32>,
      %add3A_64 = arith.constant 2 : i32
      %add3A_65 = vector.broadcast %add3A_64 : i32 to vector<16xi32>
      %add3A_66 = arith.addi %mul3A_39, %add3A_65 : vector<16xi32>
      tpu.vector_store_idx %arg12[%add3A_66], %get3A_63 {add = true} : memref<16384xf32, #tpu.memory_space<vmem>>[vector<16xi32>], vector<16xf32>,
      %mul3A_67 = arith.constant 16 : i32
      %mul3A_68 = arith.muli %scan3A_28, %mul3A_67 : i32
      %get3A_69 = arith.constant 3 : i32
      %get3A_70 = arith.index_cast %get3A_69 : i32 to index
      %get3A_71 = arith.index_cast %mul3A_68 : i32 to index
      %get3A_72 = tpu.vector_load %arg11[%get3A_70, %get3A_71] {strides = array<i32>} : memref<16x512xf32, #tpu.memory_space<vmem>>, vector<16xf32>,
      %add3A_73 = arith.constant 3 : i32
      %add3A_74 = vector.broadcast %add3A_73 : i32 to vector<16xi32>
      %add3A_75 = arith.addi %mul3A_39, %add3A_74 : vector<16xi32>
      tpu.vector_store_idx %arg12[%add3A_75], %get3A_72 {add = true} : memref<16384xf32, #tpu.memory_space<vmem>>[vector<16xi32>], vector<16xf32>,
      %mul3A_76 = arith.constant 16 : i32
      %mul3A_77 = arith.muli %scan3A_28, %mul3A_76 : i32
      %get3A_78 = arith.constant 4 : i32
      %get3A_79 = arith.index_cast %get3A_78 : i32 to index
      %get3A_80 = arith.index_cast %mul3A_77 : i32 to index
      %get3A_81 = tpu.vector_load %arg11[%get3A_79, %get3A_80] {strides = array<i32>} : memref<16x512xf32, #tpu.memory_space<vmem>>, vector<16xf32>,
      %add3A_82 = arith.constant 4 : i32
      %add3A_83 = vector.broadcast %add3A_82 : i32 to vector<16xi32>
      %add3A_84 = arith.addi %mul3A_39, %add3A_83 : vector<16xi32>
      tpu.vector_store_idx %arg12[%add3A_84], %get3A_81 {add = true} : memref<16384xf32, #tpu.memory_space<vmem>>[vector<16xi32>], vector<16xf32>,
      %mul3A_85 = arith.constant 16 : i32
      %mul3A_86 = arith.muli %scan3A_28, %mul3A_85 : i32
      %get3A_87 = arith.constant 5 : i32
      %get3A_88 = arith.index_cast %get3A_87 : i32 to index
      %get3A_89 = arith.index_cast %mul3A_86 : i32 to index
      %get3A_90 = tpu.vector_load %arg11[%get3A_88, %get3A_89] {strides = array<i32>} : memref<16x512xf32, #tpu.memory_space<vmem>>, vector<16xf32>,
      %add3A_91 = arith.constant 5 : i32
      %add3A_92 = vector.broadcast %add3A_91 : i32 to vector<16xi32>
      %add3A_93 = arith.addi %mul3A_39, %add3A_92 : vector<16xi32>
      tpu.vector_store_idx %arg12[%add3A_93], %get3A_90 {add = true} : memref<16384xf32, #tpu.memory_space<vmem>>[vector<16xi32>], vector<16xf32>,
      %mul3A_94 = arith.constant 16 : i32
      %mul3A_95 = arith.muli %scan3A_28, %mul3A_94 : i32
      %get3A_96 = arith.constant 6 : i32
      %get3A_97 = arith.index_cast %get3A_96 : i32 to index
      %get3A_98 = arith.index_cast %mul3A_95 : i32 to index
      %get3A_99 = tpu.vector_load %arg11[%get3A_97, %get3A_98] {strides = array<i32>} : memref<16x512xf32, #tpu.memory_space<vmem>>, vector<16xf32>,
      %add3A_100 = arith.constant 6 : i32
      %add3A_101 = vector.broadcast %add3A_100 : i32 to vector<16xi32>
      %add3A_102 = arith.addi %mul3A_39, %add3A_101 : vector<16xi32>
      tpu.vector_store_idx %arg12[%add3A_102], %get3A_99 {add = true} : memref<16384xf32, #tpu.memory_space<vmem>>[vector<16xi32>], vector<16xf32>,
      %mul3A_103 = arith.constant 16 : i32
      %mul3A_104 = arith.muli %scan3A_28, %mul3A_103 : i32
      %get3A_105 = arith.constant 7 : i32
      %get3A_106 = arith.index_cast %get3A_105 : i32 to index
      %get3A_107 = arith.index_cast %mul3A_104 : i32 to index
      %get3A_108 = tpu.vector_load %arg11[%get3A_106, %get3A_107] {strides = array<i32>} : memref<16x512xf32, #tpu.memory_space<vmem>>, vector<16xf32>,
      %add3A_109 = arith.constant 7 : i32
      %add3A_110 = vector.broadcast %add3A_109 : i32 to vector<16xi32>
      %add3A_111 = arith.addi %mul3A_39, %add3A_110 : vector<16xi32>
      tpu.vector_store_idx %arg12[%add3A_111], %get3A_108 {add = true} : memref<16384xf32, #tpu.memory_space<vmem>>[vector<16xi32>], vector<16xf32>,
      %mul3A_112 = arith.constant 16 : i32
      %mul3A_113 = arith.muli %scan3A_28, %mul3A_112 : i32
      %get3A_114 = arith.constant 8 : i32
      %get3A_115 = arith.index_cast %get3A_114 : i32 to index
      %get3A_116 = arith.index_cast %mul3A_113 : i32 to index
      %get3A_117 = tpu.vector_load %arg11[%get3A_115, %get3A_116] {strides = array<i32>} : memref<16x512xf32, #tpu.memory_space<vmem>>, vector<16xf32>,
      %add3A_118 = arith.constant 8 : i32
      %add3A_119 = vector.broadcast %add3A_118 : i32 to vector<16xi32>
      %add3A_120 = arith.addi %mul3A_39, %add3A_119 : vector<16xi32>
      tpu.vector_store_idx %arg12[%add3A_120], %get3A_117 {add = true} : memref<16384xf32, #tpu.memory_space<vmem>>[vector<16xi32>], vector<16xf32>,
      %mul3A_121 = arith.constant 16 : i32
      %mul3A_122 = arith.muli %scan3A_28, %mul3A_121 : i32
      %get3A_123 = arith.constant 9 : i32
      %get3A_124 = arith.index_cast %get3A_123 : i32 to index
      %get3A_125 = arith.index_cast %mul3A_122 : i32 to index
      %get3A_126 = tpu.vector_load %arg11[%get3A_124, %get3A_125] {strides = array<i32>} : memref<16x512xf32, #tpu.memory_space<vmem>>, vector<16xf32>,
      %add3A_127 = arith.constant 9 : i32
      %add3A_128 = vector.broadcast %add3A_127 : i32 to vector<16xi32>
      %add3A_129 = arith.addi %mul3A_39, %add3A_128 : vector<16xi32>
      tpu.vector_store_idx %arg12[%add3A_129], %get3A_126 {add = true} : memref<16384xf32, #tpu.memory_space<vmem>>[vector<16xi32>], vector<16xf32>,
      %mul3A_130 = arith.constant 16 : i32
      %mul3A_131 = arith.muli %scan3A_28, %mul3A_130 : i32
      %get3A_132 = arith.constant 10 : i32
      %get3A_133 = arith.index_cast %get3A_132 : i32 to index
      %get3A_134 = arith.index_cast %mul3A_131 : i32 to index
      %get3A_135 = tpu.vector_load %arg11[%get3A_133, %get3A_134] {strides = array<i32>} : memref<16x512xf32, #tpu.memory_space<vmem>>, vector<16xf32>,
      %add3A_136 = arith.constant 10 : i32
      %add3A_137 = vector.broadcast %add3A_136 : i32 to vector<16xi32>
      %add3A_138 = arith.addi %mul3A_39, %add3A_137 : vector<16xi32>
      tpu.vector_store_idx %arg12[%add3A_138], %get3A_135 {add = true} : memref<16384xf32, #tpu.memory_space<vmem>>[vector<16xi32>], vector<16xf32>,
      %mul3A_139 = arith.constant 16 : i32
      %mul3A_140 = arith.muli %scan3A_28, %mul3A_139 : i32
      %get3A_141 = arith.constant 11 : i32
      %get3A_142 = arith.index_cast %get3A_141 : i32 to index
      %get3A_143 = arith.index_cast %mul3A_140 : i32 to index
      %get3A_144 = tpu.vector_load %arg11[%get3A_142, %get3A_143] {strides = array<i32>} : memref<16x512xf32, #tpu.memory_space<vmem>>, vector<16xf32>,
      %add3A_145 = arith.constant 11 : i32
      %add3A_146 = vector.broadcast %add3A_145 : i32 to vector<16xi32>
      %add3A_147 = arith.addi %mul3A_39, %add3A_146 : vector<16xi32>
      tpu.vector_store_idx %arg12[%add3A_147], %get3A_144 {add = true} : memref<16384xf32, #tpu.memory_space<vmem>>[vector<16xi32>], vector<16xf32>,
      %mul3A_148 = arith.constant 16 : i32
      %mul3A_149 = arith.muli %scan3A_28, %mul3A_148 : i32
      %get3A_150 = arith.constant 12 : i32
      %get3A_151 = arith.index_cast %get3A_150 : i32 to index
      %get3A_152 = arith.index_cast %mul3A_149 : i32 to index
      %get3A_153 = tpu.vector_load %arg11[%get3A_151, %get3A_152] {strides = array<i32>} : memref<16x512xf32, #tpu.memory_space<vmem>>, vector<16xf32>,
      %add3A_154 = arith.constant 12 : i32
      %add3A_155 = vector.broadcast %add3A_154 : i32 to vector<16xi32>
      %add3A_156 = arith.addi %mul3A_39, %add3A_155 : vector<16xi32>
      tpu.vector_store_idx %arg12[%add3A_156], %get3A_153 {add = true} : memref<16384xf32, #tpu.memory_space<vmem>>[vector<16xi32>], vector<16xf32>,
      %mul3A_157 = arith.constant 16 : i32
      %mul3A_158 = arith.muli %scan3A_28, %mul3A_157 : i32
      %get3A_159 = arith.constant 13 : i32
      %get3A_160 = arith.index_cast %get3A_159 : i32 to index
      %get3A_161 = arith.index_cast %mul3A_158 : i32 to index
      %get3A_162 = tpu.vector_load %arg11[%get3A_160, %get3A_161] {strides = array<i32>} : memref<16x512xf32, #tpu.memory_space<vmem>>, vector<16xf32>,
      %add3A_163 = arith.constant 13 : i32
      %add3A_164 = vector.broadcast %add3A_163 : i32 to vector<16xi32>
      %add3A_165 = arith.addi %mul3A_39, %add3A_164 : vector<16xi32>
      tpu.vector_store_idx %arg12[%add3A_165], %get3A_162 {add = true} : memref<16384xf32, #tpu.memory_space<vmem>>[vector<16xi32>], vector<16xf32>,
      %mul3A_166 = arith.constant 16 : i32
      %mul3A_167 = arith.muli %scan3A_28, %mul3A_166 : i32
      %get3A_168 = arith.constant 14 : i32
      %get3A_169 = arith.index_cast %get3A_168 : i32 to index
      %get3A_170 = arith.index_cast %mul3A_167 : i32 to index
      %get3A_171 = tpu.vector_load %arg11[%get3A_169, %get3A_170] {strides = array<i32>} : memref<16x512xf32, #tpu.memory_space<vmem>>, vector<16xf32>,
      %add3A_172 = arith.constant 14 : i32
      %add3A_173 = vector.broadcast %add3A_172 : i32 to vector<16xi32>
      %add3A_174 = arith.addi %mul3A_39, %add3A_173 : vector<16xi32>
      tpu.vector_store_idx %arg12[%add3A_174], %get3A_171 {add = true} : memref<16384xf32, #tpu.memory_space<vmem>>[vector<16xi32>], vector<16xf32>,
      %mul3A_175 = arith.constant 16 : i32
      %mul3A_176 = arith.muli %scan3A_28, %mul3A_175 : i32
      %get3A_177 = arith.constant 15 : i32
      %get3A_178 = arith.index_cast %get3A_177 : i32 to index
      %get3A_179 = arith.index_cast %mul3A_176 : i32 to index
      %get3A_180 = tpu.vector_load %arg11[%get3A_178, %get3A_179] {strides = array<i32>} : memref<16x512xf32, #tpu.memory_space<vmem>>, vector<16xf32>,
      %add3A_181 = arith.constant 15 : i32
      %add3A_182 = vector.broadcast %add3A_181 : i32 to vector<16xi32>
      %add3A_183 = arith.addi %mul3A_39, %add3A_182 : vector<16xi32>
      tpu.vector_store_idx %arg12[%add3A_183], %get3A_180 {add = true} : memref<16384xf32, #tpu.memory_space<vmem>>[vector<16xi32>], vector<16xf32>,
    }
    %scan3A_17 = arith.constant 32 : i32
    %mul3A_18 = arith.constant 1024 : i32
    %mul3A_19 = arith.muli %arg1, %mul3A_18 : i32
    %add3A_20 = arith.constant 512 : i32
    %add3A_21 = arith.addi %mul3A_19, %add3A_20 : i32
    "tpu.region"() ({
      %run_scoped3A = tpu.sem_alloc : memref<!tpu.dma_semaphore, #tpu.memory_space<semaphore_mem>>
      %dma_start3A = arith.constant 0 : i32
      %dma_start3A_28 = tpu.memref_slice %arg4[%arg0, %dma_start3A, %add3A_21] : memref<2x16x16384xf32, #tpu.memory_space<hbm>> -> memref<1x16x512xf32, #tpu.memory_space<hbm>>
      %dma_start3A_29 = tpu.memref_squeeze %dma_start3A_28 : memref<1x16x512xf32, #tpu.memory_space<hbm>> -> memref<16x512xf32, #tpu.memory_space<hbm>>
      %dma_start3A_30 = arith.constant 0 : i32
      %dma_start3A_31 = tpu.memref_slice %arg4[%arg0, %dma_start3A_30, %add3A_21] : memref<2x16x16384xf32, #tpu.memory_space<hbm>> -> memref<1x16x512xf32, #tpu.memory_space<hbm>>
      %dma_start3A_32 = tpu.memref_squeeze %dma_start3A_31 : memref<1x16x512xf32, #tpu.memory_space<hbm>> -> memref<16x512xf32, #tpu.memory_space<hbm>>
      tpu.enqueue_dma source(%dma_start3A_32 : memref<16x512xf32, #tpu.memory_space<hbm>>) target(%arg11 : memref<16x512xf32, #tpu.memory_space<vmem>>) target_semaphore(%run_scoped3A : memref<!tpu.dma_semaphore, #tpu.memory_space<semaphore_mem>>)
      %dma_wait3A = arith.constant 0 : i32
      %dma_wait3A_33 = tpu.memref_slice %arg4[%arg0, %dma_wait3A, %add3A_21] : memref<2x16x16384xf32, #tpu.memory_space<hbm>> -> memref<1x16x512xf32, #tpu.memory_space<hbm>>
      %dma_wait3A_34 = tpu.memref_squeeze %dma_wait3A_33 : memref<1x16x512xf32, #tpu.memory_space<hbm>> -> memref<16x512xf32, #tpu.memory_space<hbm>>
      %dma_wait3A_35 = arith.constant 0 : i32
      %dma_wait3A_36 = tpu.memref_slice %arg4[%arg0, %dma_wait3A_35, %add3A_21] : memref<2x16x16384xf32, #tpu.memory_space<hbm>> -> memref<1x16x512xf32, #tpu.memory_space<hbm>>
      %dma_wait3A_37 = tpu.memref_squeeze %dma_wait3A_36 : memref<1x16x512xf32, #tpu.memory_space<hbm>> -> memref<16x512xf32, #tpu.memory_space<hbm>>
      tpu.wait_dma2 semaphore(%run_scoped3A : memref<!tpu.dma_semaphore, #tpu.memory_space<semaphore_mem>>) src(%dma_wait3A_37 : memref<16x512xf32, #tpu.memory_space<hbm>>) dst(%arg11 : memref<16x512xf32, #tpu.memory_space<vmem>>)
      tpu.yield
    }) : () -> ()
    %scan3A_22 = arith.constant 0 : i32
    %scan3A_23 = arith.constant 0 : i32
    %scan3A_24 = arith.constant 32 : i32
    %scan3A_25 = arith.addi %scan3A_23, %scan3A_24 : i32
    %scan3A_26 = arith.constant 1 : i32
    scf.for %scan3A_28 = %scan3A_23 to %scan3A_25 step %scan3A_26  : i32 {
      %mul3A_29 = arith.constant 1024 : i32
      %mul3A_30 = arith.muli %arg1, %mul3A_29 : i32
      %add3A_31 = arith.constant 512 : i32
      %add3A_32 = arith.addi %mul3A_30, %add3A_31 : i32
      %mul3A_33 = arith.constant 16 : i32
      %mul3A_34 = arith.muli %scan3A_28, %mul3A_33 : i32
      %add3A_35 = arith.addi %add3A_32, %mul3A_34 : i32
      %get3A = arith.index_cast %add3A_35 : i32 to index
      %get3A_36 = tpu.vector_load %arg8[%get3A] {strides = array<i32>} : memref<16384xi32, #tpu.memory_space<vmem>>, vector<16xi32>,
      %mul3A_37 = arith.constant 16 : i32
      %mul3A_38 = vector.broadcast %mul3A_37 : i32 to vector<16xi32>
      %mul3A_39 = arith.muli %get3A_36, %mul3A_38 : vector<16xi32>
      %mul3A_40 = arith.constant 16 : i32
      %mul3A_41 = arith.muli %scan3A_28, %mul3A_40 : i32
      %get3A_42 = arith.constant 0 : i32
      %get3A_43 = arith.index_cast %get3A_42 : i32 to index
      %get3A_44 = arith.index_cast %mul3A_41 : i32 to index
      %get3A_45 = tpu.vector_load %arg11[%get3A_43, %get3A_44] {strides = array<i32>} : memref<16x512xf32, #tpu.memory_space<vmem>>, vector<16xf32>,
      %add3A_46 = arith.constant 0 : i32
      %add3A_47 = vector.broadcast %add3A_46 : i32 to vector<16xi32>
      %add3A_48 = arith.addi %mul3A_39, %add3A_47 : vector<16xi32>
      tpu.vector_store_idx %arg12[%add3A_48], %get3A_45 {add = true} : memref<16384xf32, #tpu.memory_space<vmem>>[vector<16xi32>], vector<16xf32>,
      %mul3A_49 = arith.constant 16 : i32
      %mul3A_50 = arith.muli %scan3A_28, %mul3A_49 : i32
      %get3A_51 = arith.constant 1 : i32
      %get3A_52 = arith.index_cast %get3A_51 : i32 to index
      %get3A_53 = arith.index_cast %mul3A_50 : i32 to index
      %get3A_54 = tpu.vector_load %arg11[%get3A_52, %get3A_53] {strides = array<i32>} : memref<16x512xf32, #tpu.memory_space<vmem>>, vector<16xf32>,
      %add3A_55 = arith.constant 1 : i32
      %add3A_56 = vector.broadcast %add3A_55 : i32 to vector<16xi32>
      %add3A_57 = arith.addi %mul3A_39, %add3A_56 : vector<16xi32>
      tpu.vector_store_idx %arg12[%add3A_57], %get3A_54 {add = true} : memref<16384xf32, #tpu.memory_space<vmem>>[vector<16xi32>], vector<16xf32>,
      %mul3A_58 = arith.constant 16 : i32
      %mul3A_59 = arith.muli %scan3A_28, %mul3A_58 : i32
      %get3A_60 = arith.constant 2 : i32
      %get3A_61 = arith.index_cast %get3A_60 : i32 to index
      %get3A_62 = arith.index_cast %mul3A_59 : i32 to index
      %get3A_63 = tpu.vector_load %arg11[%get3A_61, %get3A_62] {strides = array<i32>} : memref<16x512xf32, #tpu.memory_space<vmem>>, vector<16xf32>,
      %add3A_64 = arith.constant 2 : i32
      %add3A_65 = vector.broadcast %add3A_64 : i32 to vector<16xi32>
      %add3A_66 = arith.addi %mul3A_39, %add3A_65 : vector<16xi32>
      tpu.vector_store_idx %arg12[%add3A_66], %get3A_63 {add = true} : memref<16384xf32, #tpu.memory_space<vmem>>[vector<16xi32>], vector<16xf32>,
      %mul3A_67 = arith.constant 16 : i32
      %mul3A_68 = arith.muli %scan3A_28, %mul3A_67 : i32
      %get3A_69 = arith.constant 3 : i32
      %get3A_70 = arith.index_cast %get3A_69 : i32 to index
      %get3A_71 = arith.index_cast %mul3A_68 : i32 to index
      %get3A_72 = tpu.vector_load %arg11[%get3A_70, %get3A_71] {strides = array<i32>} : memref<16x512xf32, #tpu.memory_space<vmem>>, vector<16xf32>,
      %add3A_73 = arith.constant 3 : i32
      %add3A_74 = vector.broadcast %add3A_73 : i32 to vector<16xi32>
      %add3A_75 = arith.addi %mul3A_39, %add3A_74 : vector<16xi32>
      tpu.vector_store_idx %arg12[%add3A_75], %get3A_72 {add = true} : memref<16384xf32, #tpu.memory_space<vmem>>[vector<16xi32>], vector<16xf32>,
      %mul3A_76 = arith.constant 16 : i32
      %mul3A_77 = arith.muli %scan3A_28, %mul3A_76 : i32
      %get3A_78 = arith.constant 4 : i32
      %get3A_79 = arith.index_cast %get3A_78 : i32 to index
      %get3A_80 = arith.index_cast %mul3A_77 : i32 to index
      %get3A_81 = tpu.vector_load %arg11[%get3A_79, %get3A_80] {strides = array<i32>} : memref<16x512xf32, #tpu.memory_space<vmem>>, vector<16xf32>,
      %add3A_82 = arith.constant 4 : i32
      %add3A_83 = vector.broadcast %add3A_82 : i32 to vector<16xi32>
      %add3A_84 = arith.addi %mul3A_39, %add3A_83 : vector<16xi32>
      tpu.vector_store_idx %arg12[%add3A_84], %get3A_81 {add = true} : memref<16384xf32, #tpu.memory_space<vmem>>[vector<16xi32>], vector<16xf32>,
      %mul3A_85 = arith.constant 16 : i32
      %mul3A_86 = arith.muli %scan3A_28, %mul3A_85 : i32
      %get3A_87 = arith.constant 5 : i32
      %get3A_88 = arith.index_cast %get3A_87 : i32 to index
      %get3A_89 = arith.index_cast %mul3A_86 : i32 to index
      %get3A_90 = tpu.vector_load %arg11[%get3A_88, %get3A_89] {strides = array<i32>} : memref<16x512xf32, #tpu.memory_space<vmem>>, vector<16xf32>,
      %add3A_91 = arith.constant 5 : i32
      %add3A_92 = vector.broadcast %add3A_91 : i32 to vector<16xi32>
      %add3A_93 = arith.addi %mul3A_39, %add3A_92 : vector<16xi32>
      tpu.vector_store_idx %arg12[%add3A_93], %get3A_90 {add = true} : memref<16384xf32, #tpu.memory_space<vmem>>[vector<16xi32>], vector<16xf32>,
      %mul3A_94 = arith.constant 16 : i32
      %mul3A_95 = arith.muli %scan3A_28, %mul3A_94 : i32
      %get3A_96 = arith.constant 6 : i32
      %get3A_97 = arith.index_cast %get3A_96 : i32 to index
      %get3A_98 = arith.index_cast %mul3A_95 : i32 to index
      %get3A_99 = tpu.vector_load %arg11[%get3A_97, %get3A_98] {strides = array<i32>} : memref<16x512xf32, #tpu.memory_space<vmem>>, vector<16xf32>,
      %add3A_100 = arith.constant 6 : i32
      %add3A_101 = vector.broadcast %add3A_100 : i32 to vector<16xi32>
      %add3A_102 = arith.addi %mul3A_39, %add3A_101 : vector<16xi32>
      tpu.vector_store_idx %arg12[%add3A_102], %get3A_99 {add = true} : memref<16384xf32, #tpu.memory_space<vmem>>[vector<16xi32>], vector<16xf32>,
      %mul3A_103 = arith.constant 16 : i32
      %mul3A_104 = arith.muli %scan3A_28, %mul3A_103 : i32
      %get3A_105 = arith.constant 7 : i32
      %get3A_106 = arith.index_cast %get3A_105 : i32 to index
      %get3A_107 = arith.index_cast %mul3A_104 : i32 to index
      %get3A_108 = tpu.vector_load %arg11[%get3A_106, %get3A_107] {strides = array<i32>} : memref<16x512xf32, #tpu.memory_space<vmem>>, vector<16xf32>,
      %add3A_109 = arith.constant 7 : i32
      %add3A_110 = vector.broadcast %add3A_109 : i32 to vector<16xi32>
      %add3A_111 = arith.addi %mul3A_39, %add3A_110 : vector<16xi32>
      tpu.vector_store_idx %arg12[%add3A_111], %get3A_108 {add = true} : memref<16384xf32, #tpu.memory_space<vmem>>[vector<16xi32>], vector<16xf32>,
      %mul3A_112 = arith.constant 16 : i32
      %mul3A_113 = arith.muli %scan3A_28, %mul3A_112 : i32
      %get3A_114 = arith.constant 8 : i32
      %get3A_115 = arith.index_cast %get3A_114 : i32 to index
      %get3A_116 = arith.index_cast %mul3A_113 : i32 to index
      %get3A_117 = tpu.vector_load %arg11[%get3A_115, %get3A_116] {strides = array<i32>} : memref<16x512xf32, #tpu.memory_space<vmem>>, vector<16xf32>,
      %add3A_118 = arith.constant 8 : i32
      %add3A_119 = vector.broadcast %add3A_118 : i32 to vector<16xi32>
      %add3A_120 = arith.addi %mul3A_39, %add3A_119 : vector<16xi32>
      tpu.vector_store_idx %arg12[%add3A_120], %get3A_117 {add = true} : memref<16384xf32, #tpu.memory_space<vmem>>[vector<16xi32>], vector<16xf32>,
      %mul3A_121 = arith.constant 16 : i32
      %mul3A_122 = arith.muli %scan3A_28, %mul3A_121 : i32
      %get3A_123 = arith.constant 9 : i32
      %get3A_124 = arith.index_cast %get3A_123 : i32 to index
      %get3A_125 = arith.index_cast %mul3A_122 : i32 to index
      %get3A_126 = tpu.vector_load %arg11[%get3A_124, %get3A_125] {strides = array<i32>} : memref<16x512xf32, #tpu.memory_space<vmem>>, vector<16xf32>,
      %add3A_127 = arith.constant 9 : i32
      %add3A_128 = vector.broadcast %add3A_127 : i32 to vector<16xi32>
      %add3A_129 = arith.addi %mul3A_39, %add3A_128 : vector<16xi32>
      tpu.vector_store_idx %arg12[%add3A_129], %get3A_126 {add = true} : memref<16384xf32, #tpu.memory_space<vmem>>[vector<16xi32>], vector<16xf32>,
      %mul3A_130 = arith.constant 16 : i32
      %mul3A_131 = arith.muli %scan3A_28, %mul3A_130 : i32
      %get3A_132 = arith.constant 10 : i32
      %get3A_133 = arith.index_cast %get3A_132 : i32 to index
      %get3A_134 = arith.index_cast %mul3A_131 : i32 to index
      %get3A_135 = tpu.vector_load %arg11[%get3A_133, %get3A_134] {strides = array<i32>} : memref<16x512xf32, #tpu.memory_space<vmem>>, vector<16xf32>,
      %add3A_136 = arith.constant 10 : i32
      %add3A_137 = vector.broadcast %add3A_136 : i32 to vector<16xi32>
      %add3A_138 = arith.addi %mul3A_39, %add3A_137 : vector<16xi32>
      tpu.vector_store_idx %arg12[%add3A_138], %get3A_135 {add = true} : memref<16384xf32, #tpu.memory_space<vmem>>[vector<16xi32>], vector<16xf32>,
      %mul3A_139 = arith.constant 16 : i32
      %mul3A_140 = arith.muli %scan3A_28, %mul3A_139 : i32
      %get3A_141 = arith.constant 11 : i32
      %get3A_142 = arith.index_cast %get3A_141 : i32 to index
      %get3A_143 = arith.index_cast %mul3A_140 : i32 to index
      %get3A_144 = tpu.vector_load %arg11[%get3A_142, %get3A_143] {strides = array<i32>} : memref<16x512xf32, #tpu.memory_space<vmem>>, vector<16xf32>,
      %add3A_145 = arith.constant 11 : i32
      %add3A_146 = vector.broadcast %add3A_145 : i32 to vector<16xi32>
      %add3A_147 = arith.addi %mul3A_39, %add3A_146 : vector<16xi32>
      tpu.vector_store_idx %arg12[%add3A_147], %get3A_144 {add = true} : memref<16384xf32, #tpu.memory_space<vmem>>[vector<16xi32>], vector<16xf32>,
      %mul3A_148 = arith.constant 16 : i32
      %mul3A_149 = arith.muli %scan3A_28, %mul3A_148 : i32
      %get3A_150 = arith.constant 12 : i32
      %get3A_151 = arith.index_cast %get3A_150 : i32 to index
      %get3A_152 = arith.index_cast %mul3A_149 : i32 to index
      %get3A_153 = tpu.vector_load %arg11[%get3A_151, %get3A_152] {strides = array<i32>} : memref<16x512xf32, #tpu.memory_space<vmem>>, vector<16xf32>,
      %add3A_154 = arith.constant 12 : i32
      %add3A_155 = vector.broadcast %add3A_154 : i32 to vector<16xi32>
      %add3A_156 = arith.addi %mul3A_39, %add3A_155 : vector<16xi32>
      tpu.vector_store_idx %arg12[%add3A_156], %get3A_153 {add = true} : memref<16384xf32, #tpu.memory_space<vmem>>[vector<16xi32>], vector<16xf32>,
      %mul3A_157 = arith.constant 16 : i32
      %mul3A_158 = arith.muli %scan3A_28, %mul3A_157 : i32
      %get3A_159 = arith.constant 13 : i32
      %get3A_160 = arith.index_cast %get3A_159 : i32 to index
      %get3A_161 = arith.index_cast %mul3A_158 : i32 to index
      %get3A_162 = tpu.vector_load %arg11[%get3A_160, %get3A_161] {strides = array<i32>} : memref<16x512xf32, #tpu.memory_space<vmem>>, vector<16xf32>,
      %add3A_163 = arith.constant 13 : i32
      %add3A_164 = vector.broadcast %add3A_163 : i32 to vector<16xi32>
      %add3A_165 = arith.addi %mul3A_39, %add3A_164 : vector<16xi32>
      tpu.vector_store_idx %arg12[%add3A_165], %get3A_162 {add = true} : memref<16384xf32, #tpu.memory_space<vmem>>[vector<16xi32>], vector<16xf32>,
      %mul3A_166 = arith.constant 16 : i32
      %mul3A_167 = arith.muli %scan3A_28, %mul3A_166 : i32
      %get3A_168 = arith.constant 14 : i32
      %get3A_169 = arith.index_cast %get3A_168 : i32 to index
      %get3A_170 = arith.index_cast %mul3A_167 : i32 to index
      %get3A_171 = tpu.vector_load %arg11[%get3A_169, %get3A_170] {strides = array<i32>} : memref<16x512xf32, #tpu.memory_space<vmem>>, vector<16xf32>,
      %add3A_172 = arith.constant 14 : i32
      %add3A_173 = vector.broadcast %add3A_172 : i32 to vector<16xi32>
      %add3A_174 = arith.addi %mul3A_39, %add3A_173 : vector<16xi32>
      tpu.vector_store_idx %arg12[%add3A_174], %get3A_171 {add = true} : memref<16384xf32, #tpu.memory_space<vmem>>[vector<16xi32>], vector<16xf32>,
      %mul3A_175 = arith.constant 16 : i32
      %mul3A_176 = arith.muli %scan3A_28, %mul3A_175 : i32
      %get3A_177 = arith.constant 15 : i32
      %get3A_178 = arith.index_cast %get3A_177 : i32 to index
      %get3A_179 = arith.index_cast %mul3A_176 : i32 to index
      %get3A_180 = tpu.vector_load %arg11[%get3A_178, %get3A_179] {strides = array<i32>} : memref<16x512xf32, #tpu.memory_space<vmem>>, vector<16xf32>,
      %add3A_181 = arith.constant 15 : i32
      %add3A_182 = vector.broadcast %add3A_181 : i32 to vector<16xi32>
      %add3A_183 = arith.addi %mul3A_39, %add3A_182 : vector<16xi32>
      tpu.vector_store_idx %arg12[%add3A_183], %get3A_180 {add = true} : memref<16384xf32, #tpu.memory_space<vmem>>[vector<16xi32>], vector<16xf32>,
    }
    %scan3A_27 = arith.constant 32 : i32
    "tpu.region"() ({
      %run_scoped3A = tpu.sem_alloc : memref<!tpu.dma_semaphore, #tpu.memory_space<semaphore_mem>>
      %dma_start3A = arith.constant 0 : i32
      %dma_start3A_28 = tpu.memref_slice %arg7[%arg0, %arg1, %dma_start3A] : memref<2x16x16384xf32, #tpu.memory_space<hbm>> -> memref<1x1x16384xf32, #tpu.memory_space<hbm>>
      %dma_start3A_29 = tpu.memref_squeeze %dma_start3A_28 : memref<1x1x16384xf32, #tpu.memory_space<hbm>> -> memref<16384xf32, #tpu.memory_space<hbm>>
      %dma_start3A_30 = arith.constant 0 : i32
      %dma_start3A_31 = tpu.memref_slice %arg7[%arg0, %arg1, %dma_start3A_30] : memref<2x16x16384xf32, #tpu.memory_space<hbm>> -> memref<1x1x16384xf32, #tpu.memory_space<hbm>>
      %dma_start3A_32 = tpu.memref_squeeze %dma_start3A_31 : memref<1x1x16384xf32, #tpu.memory_space<hbm>> -> memref<16384xf32, #tpu.memory_space<hbm>>
      tpu.enqueue_dma source(%arg12 : memref<16384xf32, #tpu.memory_space<vmem>>) target(%dma_start3A_32 : memref<16384xf32, #tpu.memory_space<hbm>>) target_semaphore(%run_scoped3A : memref<!tpu.dma_semaphore, #tpu.memory_space<semaphore_mem>>)
      %dma_wait3A = arith.constant 0 : i32
      %dma_wait3A_33 = tpu.memref_slice %arg7[%arg0, %arg1, %dma_wait3A] : memref<2x16x16384xf32, #tpu.memory_space<hbm>> -> memref<1x1x16384xf32, #tpu.memory_space<hbm>>
      %dma_wait3A_34 = tpu.memref_squeeze %dma_wait3A_33 : memref<1x1x16384xf32, #tpu.memory_space<hbm>> -> memref<16384xf32, #tpu.memory_space<hbm>>
      %dma_wait3A_35 = arith.constant 0 : i32
      %dma_wait3A_36 = tpu.memref_slice %arg7[%arg0, %arg1, %dma_wait3A_35] : memref<2x16x16384xf32, #tpu.memory_space<hbm>> -> memref<1x1x16384xf32, #tpu.memory_space<hbm>>
      %dma_wait3A_37 = tpu.memref_squeeze %dma_wait3A_36 : memref<1x1x16384xf32, #tpu.memory_space<hbm>> -> memref<16384xf32, #tpu.memory_space<hbm>>
      tpu.wait_dma2 semaphore(%run_scoped3A : memref<!tpu.dma_semaphore, #tpu.memory_space<semaphore_mem>>) src(%arg12 : memref<16384xf32, #tpu.memory_space<vmem>>) dst(%dma_wait3A_37 : memref<16384xf32, #tpu.memory_space<hbm>>)
      tpu.yield
    }) : () -> ()
    return
  }
}

module attributes {stable_mosaic.version = 14 : i64} {
  func.func @_ea_kernel(%arg0: i32, %arg1: memref<1x16x1024x16xf32, #tpu.memory_space<vmem>>, %arg2: memref<16x128xf32, #tpu.memory_space<vmem>>, %arg3: memref<16x16xf32, #tpu.memory_space<vmem>>, %arg4: memref<1x1024x128xf32, #tpu.memory_space<vmem>>, %arg5: memref<1x1024x16xf32, #tpu.memory_space<vmem>>) attributes {dimension_semantics = [#tpu.dimension_semantics<arbitrary>], iteration_bounds = array<i64: 2>, scalar_prefetch = 0 : i64, scratch_operands = 0 : i64, tpu.core_type = #tpu.core_type<tc>, window_params = [{transform_indices = @transform_0, window_bounds = array<i64: 1, 16, 1024, 16>}, {pipeline_mode = #tpu.pipeline_mode<synchronous>, transform_indices = @transform_1, window_bounds = array<i64: 16, 128>}, {pipeline_mode = #tpu.pipeline_mode<synchronous>, transform_indices = @transform_2, window_bounds = array<i64: 16, 16>}, {transform_indices = @transform_3, window_bounds = array<i64: 1, 1024, 128>}, {transform_indices = @transform_4, window_bounds = array<i64: 1, 1024, 16>}]} {
    %get3A = arith.constant 0 : index
    %get3A_0 = arith.constant 0 : index
    %get3A_1 = arith.constant 0 : index
    %get3A_2 = arith.constant 0 : index
    %get3A_3 = vector.load %arg1[%get3A, %get3A_0, %get3A_1, %get3A_2] : memref<1x16x1024x16xf32, #tpu.memory_space<vmem>>, vector<1x16x1024x16xf32>
    %get3A_4 = vector.shape_cast %get3A_3 : vector<1x16x1024x16xf32> to vector<16x1024x16xf32>
    %reduce_sum3A = arith.constant dense<0.000000e+00> : vector<1024x16xf32>
    %reduce_sum3A_5 = vector.multi_reduction <add>, %get3A_4, %reduce_sum3A [0] : vector<16x1024x16xf32> to vector<1024x16xf32>
    %convert_element_type3A = arith.truncf %reduce_sum3A_5 : vector<1024x16xf32> to vector<1024x16xbf16>
    %convert_element_type3A_6 = arith.extf %convert_element_type3A : vector<1024x16xbf16> to vector<1024x16xf32>
    %sub3A = arith.subf %reduce_sum3A_5, %convert_element_type3A_6 : vector<1024x16xf32>
    %convert_element_type3A_7 = arith.truncf %sub3A : vector<1024x16xf32> to vector<1024x16xbf16>
    %convert_element_type3A_8 = arith.extf %convert_element_type3A : vector<1024x16xbf16> to vector<1024x16xf32>
    %sub3A_9 = arith.subf %reduce_sum3A_5, %convert_element_type3A_8 : vector<1024x16xf32>
    %convert_element_type3A_10 = arith.extf %convert_element_type3A_7 : vector<1024x16xbf16> to vector<1024x16xf32>
    %sub3A_11 = arith.subf %sub3A_9, %convert_element_type3A_10 : vector<1024x16xf32>
    %convert_element_type3A_12 = arith.truncf %sub3A_11 : vector<1024x16xf32> to vector<1024x16xbf16>
    %get3A_13 = arith.constant 0 : index
    %get3A_14 = arith.constant 0 : index
    %get3A_15 = vector.load %arg2[%get3A_13, %get3A_14] : memref<16x128xf32, #tpu.memory_space<vmem>>, vector<16x128xf32>
    %convert_element_type3A_16 = arith.truncf %get3A_15 : vector<16x128xf32> to vector<16x128xbf16>
    %get3A_17 = arith.constant 0 : index
    %get3A_18 = arith.constant 0 : index
    %get3A_19 = vector.load %arg3[%get3A_17, %get3A_18] : memref<16x16xf32, #tpu.memory_space<vmem>>, vector<16x16xf32>
    %convert_element_type3A_20 = arith.truncf %get3A_19 : vector<16x16xf32> to vector<16x16xbf16>
    %dot_general3A = arith.constant dense<0.000000e+00> : vector<1024x128xf32>
    %dot_general3A_21 = tpu.matmul %convert_element_type3A, %convert_element_type3A_16, %dot_general3A {dimension_numbers = #tpu.dot_dimension_numbers<[1], [0], [0], [1], [0, 0, 1, 1], [], []>, transpose_lhs_hint = false} : vector<1024x16xbf16>, vector<16x128xbf16>, vector<1024x128xf32> -> vector<1024x128xf32>
    %dot_general3A_22 = arith.constant dense<0.000000e+00> : vector<1024x128xf32>
    %dot_general3A_23 = tpu.matmul %convert_element_type3A_7, %convert_element_type3A_16, %dot_general3A_22 {dimension_numbers = #tpu.dot_dimension_numbers<[1], [0], [0], [1], [0, 0, 1, 1], [], []>, transpose_lhs_hint = false} : vector<1024x16xbf16>, vector<16x128xbf16>, vector<1024x128xf32> -> vector<1024x128xf32>
    %add3A = arith.addf %dot_general3A_21, %dot_general3A_23 : vector<1024x128xf32>
    %dot_general3A_24 = arith.constant dense<0.000000e+00> : vector<1024x128xf32>
    %dot_general3A_25 = tpu.matmul %convert_element_type3A_12, %convert_element_type3A_16, %dot_general3A_24 {dimension_numbers = #tpu.dot_dimension_numbers<[1], [0], [0], [1], [0, 0, 1, 1], [], []>, transpose_lhs_hint = false} : vector<1024x16xbf16>, vector<16x128xbf16>, vector<1024x128xf32> -> vector<1024x128xf32>
    %add3A_26 = arith.addf %add3A, %dot_general3A_25 : vector<1024x128xf32>
    %swap3A = arith.constant 0 : index
    %swap3A_27 = arith.constant 0 : index
    %swap3A_28 = arith.constant 0 : index
    %swap3A_29 = vector.load %arg4[%swap3A, %swap3A_27, %swap3A_28] : memref<1x1024x128xf32, #tpu.memory_space<vmem>>, vector<1x1024x128xf32>
    %swap3A_30 = vector.shape_cast %swap3A_29 : vector<1x1024x128xf32> to vector<1024x128xf32>
    %swap3A_31 = vector.shape_cast %add3A_26 : vector<1024x128xf32> to vector<1x1024x128xf32>
    tpu.vector_store %arg4[%swap3A, %swap3A_27, %swap3A_28], %swap3A_31 {strides = array<i32>} : memref<1x1024x128xf32, #tpu.memory_space<vmem>>, vector<1x1024x128xf32>,
    %dot_general3A_32 = arith.constant dense<0.000000e+00> : vector<1024x16xf32>
    %dot_general3A_33 = tpu.matmul %convert_element_type3A, %convert_element_type3A_20, %dot_general3A_32 {dimension_numbers = #tpu.dot_dimension_numbers<[1], [0], [0], [1], [0, 0, 1, 1], [], []>, transpose_lhs_hint = false} : vector<1024x16xbf16>, vector<16x16xbf16>, vector<1024x16xf32> -> vector<1024x16xf32>
    %dot_general3A_34 = arith.constant dense<0.000000e+00> : vector<1024x16xf32>
    %dot_general3A_35 = tpu.matmul %convert_element_type3A_7, %convert_element_type3A_20, %dot_general3A_34 {dimension_numbers = #tpu.dot_dimension_numbers<[1], [0], [0], [1], [0, 0, 1, 1], [], []>, transpose_lhs_hint = false} : vector<1024x16xbf16>, vector<16x16xbf16>, vector<1024x16xf32> -> vector<1024x16xf32>
    %add3A_36 = arith.addf %dot_general3A_33, %dot_general3A_35 : vector<1024x16xf32>
    %dot_general3A_37 = arith.constant dense<0.000000e+00> : vector<1024x16xf32>
    %dot_general3A_38 = tpu.matmul %convert_element_type3A_12, %convert_element_type3A_20, %dot_general3A_37 {dimension_numbers = #tpu.dot_dimension_numbers<[1], [0], [0], [1], [0, 0, 1, 1], [], []>, transpose_lhs_hint = false} : vector<1024x16xbf16>, vector<16x16xbf16>, vector<1024x16xf32> -> vector<1024x16xf32>
    %add3A_39 = arith.addf %add3A_36, %dot_general3A_38 : vector<1024x16xf32>
    %swap3A_40 = arith.constant 0 : index
    %swap3A_41 = arith.constant 0 : index
    %swap3A_42 = arith.constant 0 : index
    %swap3A_43 = vector.load %arg5[%swap3A_40, %swap3A_41, %swap3A_42] : memref<1x1024x16xf32, #tpu.memory_space<vmem>>, vector<1x1024x16xf32>
    %swap3A_44 = vector.shape_cast %swap3A_43 : vector<1x1024x16xf32> to vector<1024x16xf32>
    %swap3A_45 = vector.shape_cast %add3A_39 : vector<1024x16xf32> to vector<1x1024x16xf32>
    tpu.vector_store %arg5[%swap3A_40, %swap3A_41, %swap3A_42], %swap3A_45 {strides = array<i32>} : memref<1x1024x16xf32, #tpu.memory_space<vmem>>, vector<1x1024x16xf32>,
    return
  }
  func.func @transform_0(%arg0: i32) -> (i32, i32, i32, i32) {
    %c0_i32 = arith.constant 0 : i32
    %c0_i32_0 = arith.constant 0 : i32
    %c0_i32_1 = arith.constant 0 : i32
    %c0_i32_2 = arith.constant 0 : i32
    return %arg0, %c0_i32, %c0_i32_0, %c0_i32_1 : i32, i32, i32, i32
  }
  func.func @transform_1(%arg0: i32) -> (i32, i32) {
    %c0_i32 = arith.constant 0 : i32
    %c0_i32_0 = arith.constant 0 : i32
    %c0_i32_1 = arith.constant 0 : i32
    return %c0_i32, %c0_i32_0 : i32, i32
  }
  func.func @transform_2(%arg0: i32) -> (i32, i32) {
    %c0_i32 = arith.constant 0 : i32
    %c0_i32_0 = arith.constant 0 : i32
    %c0_i32_1 = arith.constant 0 : i32
    return %c0_i32, %c0_i32_0 : i32, i32
  }
  func.func @transform_3(%arg0: i32) -> (i32, i32, i32) {
    %c0_i32 = arith.constant 0 : i32
    %c0_i32_0 = arith.constant 0 : i32
    %c0_i32_1 = arith.constant 0 : i32
    return %arg0, %c0_i32, %c0_i32_0 : i32, i32, i32
  }
  func.func @transform_4(%arg0: i32) -> (i32, i32, i32) {
    %c0_i32 = arith.constant 0 : i32
    %c0_i32_0 = arith.constant 0 : i32
    %c0_i32_1 = arith.constant 0 : i32
    return %arg0, %c0_i32, %c0_i32_0 : i32, i32, i32
  }
}

module attributes {stable_mosaic.version = 14 : i64} {
  func.func @_gnn_kernel(%arg0: i32, %arg1: i32, %arg2: memref<1x1024x128xf32, #tpu.memory_space<vmem>>, %arg3: memref<1x256x1024xbf16, #tpu.memory_space<vmem>>, %arg4: memref<1x256x128xf32, #tpu.memory_space<vmem>>, %arg5: memref<128x128xf32, #tpu.memory_space<vmem>>, %arg6: memref<128x128xf32, #tpu.memory_space<vmem>>, %arg7: memref<1x128xf32, #tpu.memory_space<vmem>>, %arg8: memref<1x256x128xf32, #tpu.memory_space<vmem>>) attributes {dimension_semantics = [#tpu.dimension_semantics<arbitrary>, #tpu.dimension_semantics<arbitrary>], iteration_bounds = array<i64: 2, 4>, scalar_prefetch = 0 : i64, scratch_operands = 0 : i64, tpu.core_type = #tpu.core_type<tc>, window_params = [{transform_indices = @transform_0, window_bounds = array<i64: 1, 1024, 128>}, {transform_indices = @transform_1, window_bounds = array<i64: 1, 256, 1024>}, {transform_indices = @transform_2, window_bounds = array<i64: 1, 256, 128>}, {pipeline_mode = #tpu.pipeline_mode<synchronous>, transform_indices = @transform_3, window_bounds = array<i64: 128, 128>}, {pipeline_mode = #tpu.pipeline_mode<synchronous>, transform_indices = @transform_4, window_bounds = array<i64: 128, 128>}, {pipeline_mode = #tpu.pipeline_mode<synchronous>, transform_indices = @transform_5, window_bounds = array<i64: 1, 128>}, {transform_indices = @transform_6, window_bounds = array<i64: 1, 256, 128>}]} {
    %get3A = arith.constant 0 : index
    %get3A_0 = arith.constant 0 : index
    %get3A_1 = arith.constant 0 : index
    %get3A_2 = vector.load %arg2[%get3A, %get3A_0, %get3A_1] : memref<1x1024x128xf32, #tpu.memory_space<vmem>>, vector<1x1024x128xf32>
    %get3A_3 = vector.shape_cast %get3A_2 : vector<1x1024x128xf32> to vector<1024x128xf32>
    %get3A_4 = arith.constant 0 : index
    %get3A_5 = arith.constant 0 : index
    %get3A_6 = vector.load %arg6[%get3A_4, %get3A_5] : memref<128x128xf32, #tpu.memory_space<vmem>>, vector<128x128xf32>
    %convert_element_type3A = arith.truncf %get3A_3 : vector<1024x128xf32> to vector<1024x128xbf16>
    %convert_element_type3A_7 = arith.truncf %get3A_6 : vector<128x128xf32> to vector<128x128xbf16>
    %dot_general3A = arith.constant dense<0.000000e+00> : vector<1024x128xf32>
    %dot_general3A_8 = tpu.matmul %convert_element_type3A, %convert_element_type3A_7, %dot_general3A {dimension_numbers = #tpu.dot_dimension_numbers<[1], [0], [0], [1], [0, 0, 1, 1], [], []>, transpose_lhs_hint = false} : vector<1024x128xbf16>, vector<128x128xbf16>, vector<1024x128xf32> -> vector<1024x128xf32>
    %convert_element_type3A_9 = arith.truncf %dot_general3A_8 : vector<1024x128xf32> to vector<1024x128xbf16>
    %convert_element_type3A_10 = arith.extf %convert_element_type3A_9 : vector<1024x128xbf16> to vector<1024x128xf32>
    %sub3A = arith.subf %dot_general3A_8, %convert_element_type3A_10 : vector<1024x128xf32>
    %convert_element_type3A_11 = arith.truncf %sub3A : vector<1024x128xf32> to vector<1024x128xbf16>
    %convert_element_type3A_12 = arith.extf %convert_element_type3A_9 : vector<1024x128xbf16> to vector<1024x128xf32>
    %sub3A_13 = arith.subf %dot_general3A_8, %convert_element_type3A_12 : vector<1024x128xf32>
    %convert_element_type3A_14 = arith.extf %convert_element_type3A_11 : vector<1024x128xbf16> to vector<1024x128xf32>
    %sub3A_15 = arith.subf %sub3A_13, %convert_element_type3A_14 : vector<1024x128xf32>
    %convert_element_type3A_16 = arith.truncf %sub3A_15 : vector<1024x128xf32> to vector<1024x128xbf16>
    %get3A_17 = arith.constant 0 : index
    %get3A_18 = arith.constant 0 : index
    %get3A_19 = arith.constant 0 : index
    %get3A_20 = vector.load %arg3[%get3A_17, %get3A_18, %get3A_19] : memref<1x256x1024xbf16, #tpu.memory_space<vmem>>, vector<1x256x1024xbf16>
    %get3A_21 = vector.shape_cast %get3A_20 : vector<1x256x1024xbf16> to vector<256x1024xbf16>
    %dot_general3A_22 = arith.constant dense<0.000000e+00> : vector<256x128xf32>
    %dot_general3A_23 = tpu.matmul %get3A_21, %convert_element_type3A_9, %dot_general3A_22 {dimension_numbers = #tpu.dot_dimension_numbers<[1], [0], [0], [1], [0, 0, 1, 1], [], []>, transpose_lhs_hint = false} : vector<256x1024xbf16>, vector<1024x128xbf16>, vector<256x128xf32> -> vector<256x128xf32>
    %dot_general3A_24 = arith.constant dense<0.000000e+00> : vector<256x128xf32>
    %dot_general3A_25 = tpu.matmul %get3A_21, %convert_element_type3A_11, %dot_general3A_24 {dimension_numbers = #tpu.dot_dimension_numbers<[1], [0], [0], [1], [0, 0, 1, 1], [], []>, transpose_lhs_hint = false} : vector<256x1024xbf16>, vector<1024x128xbf16>, vector<256x128xf32> -> vector<256x128xf32>
    %add3A = arith.addf %dot_general3A_23, %dot_general3A_25 : vector<256x128xf32>
    %dot_general3A_26 = arith.constant dense<0.000000e+00> : vector<256x128xf32>
    %dot_general3A_27 = tpu.matmul %get3A_21, %convert_element_type3A_16, %dot_general3A_26 {dimension_numbers = #tpu.dot_dimension_numbers<[1], [0], [0], [1], [0, 0, 1, 1], [], []>, transpose_lhs_hint = false} : vector<256x1024xbf16>, vector<1024x128xbf16>, vector<256x128xf32> -> vector<256x128xf32>
    %add3A_28 = arith.addf %add3A, %dot_general3A_27 : vector<256x128xf32>
    %mul3A = arith.constant 256 : i32
    %mul3A_29 = arith.muli %arg1, %mul3A : i32
    %get3A_30 = arith.constant 0 : index
    %get3A_31 = arith.index_cast %mul3A_29 : i32 to index
    %get3A_32 = arith.constant 0 : index
    %get3A_33 = vector.load %arg2[%get3A_30, %get3A_31, %get3A_32] : memref<1x1024x128xf32, #tpu.memory_space<vmem>>, vector<1x256x128xf32>
    %get3A_34 = vector.shape_cast %get3A_33 : vector<1x256x128xf32> to vector<256x128xf32>
    %get3A_35 = arith.constant 0 : index
    %get3A_36 = arith.constant 0 : index
    %get3A_37 = vector.load %arg5[%get3A_35, %get3A_36] : memref<128x128xf32, #tpu.memory_space<vmem>>, vector<128x128xf32>
    %convert_element_type3A_38 = arith.truncf %get3A_34 : vector<256x128xf32> to vector<256x128xbf16>
    %convert_element_type3A_39 = arith.truncf %get3A_37 : vector<128x128xf32> to vector<128x128xbf16>
    %dot_general3A_40 = arith.constant dense<0.000000e+00> : vector<256x128xf32>
    %dot_general3A_41 = tpu.matmul %convert_element_type3A_38, %convert_element_type3A_39, %dot_general3A_40 {dimension_numbers = #tpu.dot_dimension_numbers<[1], [0], [0], [1], [0, 0, 1, 1], [], []>, transpose_lhs_hint = false} : vector<256x128xbf16>, vector<128x128xbf16>, vector<256x128xf32> -> vector<256x128xf32>
    %add3A_42 = arith.addf %dot_general3A_41, %add3A_28 : vector<256x128xf32>
    %get3A_43 = arith.constant 0 : index
    %get3A_44 = arith.constant 0 : index
    %get3A_45 = arith.constant 0 : index
    %get3A_46 = vector.load %arg4[%get3A_43, %get3A_44, %get3A_45] : memref<1x256x128xf32, #tpu.memory_space<vmem>>, vector<1x256x128xf32>
    %get3A_47 = vector.shape_cast %get3A_46 : vector<1x256x128xf32> to vector<256x128xf32>
    %add3A_48 = arith.addf %add3A_42, %get3A_47 : vector<256x128xf32>
    %get3A_49 = arith.constant 0 : index
    %get3A_50 = arith.constant 0 : index
    %get3A_51 = vector.load %arg7[%get3A_49, %get3A_50] : memref<1x128xf32, #tpu.memory_space<vmem>>, vector<1x128xf32>
    %add3A_52 = vector.broadcast %get3A_51 : vector<1x128xf32> to vector<256x128xf32>
    %add3A_53 = arith.addf %add3A_48, %add3A_52 : vector<256x128xf32>
    %max3A = arith.constant 0.000000e+00 : f32
    %max3A_54 = vector.broadcast %max3A : f32 to vector<256x128xf32>
    %max3A_55 = arith.maximumf %add3A_53, %max3A_54 : vector<256x128xf32>
    %swap3A = arith.constant 0 : index
    %swap3A_56 = arith.constant 0 : index
    %swap3A_57 = arith.constant 0 : index
    %swap3A_58 = vector.load %arg8[%swap3A, %swap3A_56, %swap3A_57] : memref<1x256x128xf32, #tpu.memory_space<vmem>>, vector<1x256x128xf32>
    %swap3A_59 = vector.shape_cast %swap3A_58 : vector<1x256x128xf32> to vector<256x128xf32>
    %swap3A_60 = vector.shape_cast %max3A_55 : vector<256x128xf32> to vector<1x256x128xf32>
    tpu.vector_store %arg8[%swap3A, %swap3A_56, %swap3A_57], %swap3A_60 {strides = array<i32>} : memref<1x256x128xf32, #tpu.memory_space<vmem>>, vector<1x256x128xf32>,
    return
  }
  func.func @transform_0(%arg0: i32, %arg1: i32) -> (i32, i32, i32) {
    %c0_i32 = arith.constant 0 : i32
    %c0_i32_0 = arith.constant 0 : i32
    %c0_i32_1 = arith.constant 0 : i32
    return %arg0, %c0_i32, %c0_i32_0 : i32, i32, i32
  }
  func.func @transform_1(%arg0: i32, %arg1: i32) -> (i32, i32, i32) {
    %c0_i32 = arith.constant 0 : i32
    %c0_i32_0 = arith.constant 0 : i32
    return %arg0, %arg1, %c0_i32 : i32, i32, i32
  }
  func.func @transform_2(%arg0: i32, %arg1: i32) -> (i32, i32, i32) {
    %c0_i32 = arith.constant 0 : i32
    %c0_i32_0 = arith.constant 0 : i32
    return %arg0, %arg1, %c0_i32 : i32, i32, i32
  }
  func.func @transform_3(%arg0: i32, %arg1: i32) -> (i32, i32) {
    %c0_i32 = arith.constant 0 : i32
    %c0_i32_0 = arith.constant 0 : i32
    %c0_i32_1 = arith.constant 0 : i32
    return %c0_i32, %c0_i32_0 : i32, i32
  }
  func.func @transform_4(%arg0: i32, %arg1: i32) -> (i32, i32) {
    %c0_i32 = arith.constant 0 : i32
    %c0_i32_0 = arith.constant 0 : i32
    %c0_i32_1 = arith.constant 0 : i32
    return %c0_i32, %c0_i32_0 : i32, i32
  }
  func.func @transform_5(%arg0: i32, %arg1: i32) -> (i32, i32) {
    %c0_i32 = arith.constant 0 : i32
    %c0_i32_0 = arith.constant 0 : i32
    %c0_i32_1 = arith.constant 0 : i32
    return %c0_i32, %c0_i32_0 : i32, i32
  }
  func.func @transform_6(%arg0: i32, %arg1: i32) -> (i32, i32, i32) {
    %c0_i32 = arith.constant 0 : i32
    %c0_i32_0 = arith.constant 0 : i32
    return %arg0, %arg1, %c0_i32 : i32, i32, i32
  }
}

module attributes {stable_mosaic.version = 14 : i64} {
  func.func @_shat_init_kernel(%arg0: i32, %arg1: memref<1x256x128xf32, #tpu.memory_space<vmem>>, %arg2: memref<1x1024x128xf32, #tpu.memory_space<vmem>>, %arg3: memref<256x1xf32, #tpu.memory_space<vmem>>, %arg4: memref<1x1024xf32, #tpu.memory_space<vmem>>, %arg5: memref<256x1024xf32, #tpu.memory_space<vmem>>) attributes {dimension_semantics = [#tpu.dimension_semantics<arbitrary>], iteration_bounds = array<i64: 4>, scalar_prefetch = 0 : i64, scratch_operands = 0 : i64, tpu.core_type = #tpu.core_type<tc>, window_params = [{transform_indices = @transform_0, window_bounds = array<i64: 1, 256, 128>}, {transform_indices = @transform_1, window_bounds = array<i64: 1, 1024, 128>}, {transform_indices = @transform_2, window_bounds = array<i64: 256, 1>}, {pipeline_mode = #tpu.pipeline_mode<synchronous>, transform_indices = @transform_3, window_bounds = array<i64: 1, 1024>}, {transform_indices = @transform_4, window_bounds = array<i64: 256, 1024>}]} {
    %get3A = arith.constant 0 : index
    %get3A_0 = arith.constant 0 : index
    %get3A_1 = arith.constant 0 : index
    %get3A_2 = vector.load %arg1[%get3A, %get3A_0, %get3A_1] : memref<1x256x128xf32, #tpu.memory_space<vmem>>, vector<1x256x128xf32>
    %get3A_3 = vector.shape_cast %get3A_2 : vector<1x256x128xf32> to vector<256x128xf32>
    %get3A_4 = arith.constant 0 : index
    %get3A_5 = arith.constant 0 : index
    %get3A_6 = arith.constant 0 : index
    %get3A_7 = vector.load %arg2[%get3A_4, %get3A_5, %get3A_6] : memref<1x1024x128xf32, #tpu.memory_space<vmem>>, vector<1x1024x128xf32>
    %get3A_8 = vector.shape_cast %get3A_7 : vector<1x1024x128xf32> to vector<1024x128xf32>
    %convert_element_type3A = arith.truncf %get3A_3 : vector<256x128xf32> to vector<256x128xbf16>
    %convert_element_type3A_9 = arith.truncf %get3A_8 : vector<1024x128xf32> to vector<1024x128xbf16>
    %dot_general3A = arith.constant dense<0.000000e+00> : vector<256x1024xf32>
    %dot_general3A_10 = tpu.matmul %convert_element_type3A, %convert_element_type3A_9, %dot_general3A {dimension_numbers = #tpu.dot_dimension_numbers<[1], [1], [0], [0], [0, 0, 1, 0], [], []>, transpose_lhs_hint = false} : vector<256x128xbf16>, vector<1024x128xbf16>, vector<256x1024xf32> -> vector<256x1024xf32>
    %get3A_11 = arith.constant 0 : index
    %get3A_12 = arith.constant 0 : index
    %get3A_13 = vector.load %arg3[%get3A_11, %get3A_12] : memref<256x1xf32, #tpu.memory_space<vmem>>, vector<256x1xf32>
    %get3A_14 = arith.constant 0 : index
    %get3A_15 = arith.constant 0 : index
    %get3A_16 = vector.load %arg4[%get3A_14, %get3A_15] : memref<1x1024xf32, #tpu.memory_space<vmem>>, vector<1x1024xf32>
    %mul3A = vector.broadcast %get3A_13 : vector<256x1xf32> to vector<256x1024xf32>
    %mul3A_17 = vector.broadcast %get3A_16 : vector<1x1024xf32> to vector<256x1024xf32>
    %mul3A_18 = arith.mulf %mul3A, %mul3A_17 : vector<256x1024xf32>
    %mul3A_19 = arith.constant 2.000000e+00 : f32
    %mul3A_20 = vector.broadcast %mul3A_19 : f32 to vector<256x1024xf32>
    %mul3A_21 = arith.mulf %mul3A_20, %mul3A_18 : vector<256x1024xf32>
    %sub3A = arith.subf %dot_general3A_10, %mul3A_21 : vector<256x1024xf32>
    %swap3A = arith.constant 0 : index
    %swap3A_22 = arith.constant 0 : index
    %swap3A_23 = vector.load %arg5[%swap3A, %swap3A_22] : memref<256x1024xf32, #tpu.memory_space<vmem>>, vector<256x1024xf32>
    tpu.vector_store %arg5[%swap3A, %swap3A_22], %sub3A {strides = array<i32>} : memref<256x1024xf32, #tpu.memory_space<vmem>>, vector<256x1024xf32>,
    return
  }
  func.func @transform_0(%arg0: i32) -> (i32, i32, i32) {
    %c0_i32 = arith.constant 0 : i32
    %c0_i32_0 = arith.constant 0 : i32
    %c0_i32_1 = arith.constant 0 : i32
    return %c0_i32, %arg0, %c0_i32_0 : i32, i32, i32
  }
  func.func @transform_1(%arg0: i32) -> (i32, i32, i32) {
    %c1_i32 = arith.constant 1 : i32
    %c0_i32 = arith.constant 0 : i32
    %c0_i32_0 = arith.constant 0 : i32
    %c0_i32_1 = arith.constant 0 : i32
    return %c1_i32, %c0_i32, %c0_i32_0 : i32, i32, i32
  }
  func.func @transform_2(%arg0: i32) -> (i32, i32) {
    %c0_i32 = arith.constant 0 : i32
    %c0_i32_0 = arith.constant 0 : i32
    return %arg0, %c0_i32 : i32, i32
  }
  func.func @transform_3(%arg0: i32) -> (i32, i32) {
    %c0_i32 = arith.constant 0 : i32
    %c0_i32_0 = arith.constant 0 : i32
    %c0_i32_1 = arith.constant 0 : i32
    return %c0_i32, %c0_i32_0 : i32, i32
  }
  func.func @transform_4(%arg0: i32) -> (i32, i32) {
    %c0_i32 = arith.constant 0 : i32
    %c0_i32_0 = arith.constant 0 : i32
    return %arg0, %c0_i32 : i32, i32
  }
}

module attributes {stable_mosaic.version = 14 : i64} {
  func.func @_softmax_rt_kernel(%arg0: i32, %arg1: memref<256x1024xf32, #tpu.memory_space<vmem>>, %arg2: memref<256x16xf32, #tpu.memory_space<vmem>>, %arg3: memref<256x1024xf32, #tpu.memory_space<vmem>>, %arg4: memref<1024x16xf32, #tpu.memory_space<vmem>>) attributes {dimension_semantics = [#tpu.dimension_semantics<arbitrary>], iteration_bounds = array<i64: 4>, scalar_prefetch = 0 : i64, scratch_operands = 0 : i64, tpu.core_type = #tpu.core_type<tc>, window_params = [{transform_indices = @transform_0, window_bounds = array<i64: 256, 1024>}, {transform_indices = @transform_1, window_bounds = array<i64: 256, 16>}, {transform_indices = @transform_2, window_bounds = array<i64: 256, 1024>}, {pipeline_mode = #tpu.pipeline_mode<synchronous>, transform_indices = @transform_3, window_bounds = array<i64: 1024, 16>}]} {
    %get3A = arith.constant 0 : index
    %get3A_0 = arith.constant 0 : index
    %get3A_1 = vector.load %arg1[%get3A, %get3A_0] : memref<256x1024xf32, #tpu.memory_space<vmem>>, vector<256x1024xf32>
    %reduce_max3A = arith.constant dense<0xFF800000> : vector<256xf32>
    %reduce_max3A_2 = vector.multi_reduction <maximumf>, %get3A_1, %reduce_max3A [1] : vector<256x1024xf32> to vector<256xf32>
    %broadcast_in_dim3A = vector.shape_cast %reduce_max3A_2 : vector<256xf32> to vector<256x1xf32>
    %sub3A = vector.broadcast %broadcast_in_dim3A : vector<256x1xf32> to vector<256x1024xf32>
    %sub3A_3 = arith.subf %get3A_1, %sub3A : vector<256x1024xf32>
    %exp3A = math.exp %sub3A_3 : vector<256x1024xf32>
    %reduce_sum3A = arith.constant dense<0.000000e+00> : vector<256xf32>
    %reduce_sum3A_4 = vector.multi_reduction <add>, %exp3A, %reduce_sum3A [1] : vector<256x1024xf32> to vector<256xf32>
    %broadcast_in_dim3A_5 = vector.shape_cast %reduce_sum3A_4 : vector<256xf32> to vector<256x1xf32>
    %div3A = vector.broadcast %broadcast_in_dim3A_5 : vector<256x1xf32> to vector<256x1024xf32>
    %div3A_6 = arith.divf %exp3A, %div3A : vector<256x1024xf32>
    %swap3A = arith.constant 0 : index
    %swap3A_7 = arith.constant 0 : index
    %swap3A_8 = vector.load %arg3[%swap3A, %swap3A_7] : memref<256x1024xf32, #tpu.memory_space<vmem>>, vector<256x1024xf32>
    tpu.vector_store %arg3[%swap3A, %swap3A_7], %div3A_6 {strides = array<i32>} : memref<256x1024xf32, #tpu.memory_space<vmem>>, vector<256x1024xf32>,
    %get3A_9 = arith.constant 0 : index
    %get3A_10 = arith.constant 0 : index
    %get3A_11 = vector.load %arg2[%get3A_9, %get3A_10] : memref<256x16xf32, #tpu.memory_space<vmem>>, vector<256x16xf32>
    %convert_element_type3A = arith.truncf %div3A_6 : vector<256x1024xf32> to vector<256x1024xbf16>
    %convert_element_type3A_12 = arith.truncf %get3A_11 : vector<256x16xf32> to vector<256x16xbf16>
    %dot_general3A = arith.constant dense<0.000000e+00> : vector<1024x16xf32>
    %dot_general3A_13 = tpu.matmul %convert_element_type3A, %convert_element_type3A_12, %dot_general3A {dimension_numbers = #tpu.dot_dimension_numbers<[0], [0], [1], [1], [0, 1, 1, 1], [], []>, transpose_lhs_hint = false} : vector<256x1024xbf16>, vector<256x16xbf16>, vector<1024x16xf32> -> vector<1024x16xf32>
    %eq3A = arith.constant 0 : i32
    %eq3A_14 = arith.cmpi eq, %arg0, %eq3A : i32
    %convert_element_type3A_15 = arith.extui %eq3A_14 : i1 to i32
    %cond3A = arith.constant 0 : i32
    %cond3A_16 = arith.cmpi ne, %convert_element_type3A_15, %cond3A : i32
    scf.if %cond3A_16 {
      %swap3A_21 = arith.constant 0 : index
      %swap3A_22 = arith.constant 0 : index
      %swap3A_23 = vector.load %arg4[%swap3A_21, %swap3A_22] : memref<1024x16xf32, #tpu.memory_space<vmem>>, vector<1024x16xf32>
      tpu.vector_store %arg4[%swap3A_21, %swap3A_22], %dot_general3A_13 {strides = array<i32>} : memref<1024x16xf32, #tpu.memory_space<vmem>>, vector<1024x16xf32>,
    } else {
    }
    %gt3A = arith.constant 0 : i32
    %gt3A_17 = arith.cmpi sgt, %arg0, %gt3A : i32
    %convert_element_type3A_18 = arith.extui %gt3A_17 : i1 to i32
    %cond3A_19 = arith.constant 0 : i32
    %cond3A_20 = arith.cmpi ne, %convert_element_type3A_18, %cond3A_19 : i32
    scf.if %cond3A_20 {
      %get3A_21 = arith.constant 0 : index
      %get3A_22 = arith.constant 0 : index
      %get3A_23 = vector.load %arg4[%get3A_21, %get3A_22] : memref<1024x16xf32, #tpu.memory_space<vmem>>, vector<1024x16xf32>
      %add3A = arith.addf %get3A_23, %dot_general3A_13 : vector<1024x16xf32>
      %swap3A_24 = arith.constant 0 : index
      %swap3A_25 = arith.constant 0 : index
      %swap3A_26 = vector.load %arg4[%swap3A_24, %swap3A_25] : memref<1024x16xf32, #tpu.memory_space<vmem>>, vector<1024x16xf32>
      tpu.vector_store %arg4[%swap3A_24, %swap3A_25], %add3A {strides = array<i32>} : memref<1024x16xf32, #tpu.memory_space<vmem>>, vector<1024x16xf32>,
    } else {
    }
    return
  }
  func.func @transform_0(%arg0: i32) -> (i32, i32) {
    %c0_i32 = arith.constant 0 : i32
    %c0_i32_0 = arith.constant 0 : i32
    return %arg0, %c0_i32 : i32, i32
  }
  func.func @transform_1(%arg0: i32) -> (i32, i32) {
    %c0_i32 = arith.constant 0 : i32
    %c0_i32_0 = arith.constant 0 : i32
    return %arg0, %c0_i32 : i32, i32
  }
  func.func @transform_2(%arg0: i32) -> (i32, i32) {
    %c0_i32 = arith.constant 0 : i32
    %c0_i32_0 = arith.constant 0 : i32
    return %arg0, %c0_i32 : i32, i32
  }
  func.func @transform_3(%arg0: i32) -> (i32, i32) {
    %c0_i32 = arith.constant 0 : i32
    %c0_i32_0 = arith.constant 0 : i32
    %c0_i32_1 = arith.constant 0 : i32
    return %c0_i32, %c0_i32_0 : i32, i32
  }
}

module attributes {stable_mosaic.version = 14 : i64} {
  func.func @_gnn_kernel(%arg0: i32, %arg1: i32, %arg2: memref<1x1024x16xf32, #tpu.memory_space<vmem>>, %arg3: memref<1x256x1024xbf16, #tpu.memory_space<vmem>>, %arg4: memref<1x256x16xf32, #tpu.memory_space<vmem>>, %arg5: memref<16x16xf32, #tpu.memory_space<vmem>>, %arg6: memref<16x16xf32, #tpu.memory_space<vmem>>, %arg7: memref<1x16xf32, #tpu.memory_space<vmem>>, %arg8: memref<1x256x16xf32, #tpu.memory_space<vmem>>) attributes {dimension_semantics = [#tpu.dimension_semantics<arbitrary>, #tpu.dimension_semantics<arbitrary>], iteration_bounds = array<i64: 2, 4>, scalar_prefetch = 0 : i64, scratch_operands = 0 : i64, tpu.core_type = #tpu.core_type<tc>, window_params = [{transform_indices = @transform_0, window_bounds = array<i64: 1, 1024, 16>}, {transform_indices = @transform_1, window_bounds = array<i64: 1, 256, 1024>}, {transform_indices = @transform_2, window_bounds = array<i64: 1, 256, 16>}, {pipeline_mode = #tpu.pipeline_mode<synchronous>, transform_indices = @transform_3, window_bounds = array<i64: 16, 16>}, {pipeline_mode = #tpu.pipeline_mode<synchronous>, transform_indices = @transform_4, window_bounds = array<i64: 16, 16>}, {pipeline_mode = #tpu.pipeline_mode<synchronous>, transform_indices = @transform_5, window_bounds = array<i64: 1, 16>}, {transform_indices = @transform_6, window_bounds = array<i64: 1, 256, 16>}]} {
    %get3A = arith.constant 0 : index
    %get3A_0 = arith.constant 0 : index
    %get3A_1 = arith.constant 0 : index
    %get3A_2 = vector.load %arg2[%get3A, %get3A_0, %get3A_1] : memref<1x1024x16xf32, #tpu.memory_space<vmem>>, vector<1x1024x16xf32>
    %get3A_3 = vector.shape_cast %get3A_2 : vector<1x1024x16xf32> to vector<1024x16xf32>
    %get3A_4 = arith.constant 0 : index
    %get3A_5 = arith.constant 0 : index
    %get3A_6 = vector.load %arg6[%get3A_4, %get3A_5] : memref<16x16xf32, #tpu.memory_space<vmem>>, vector<16x16xf32>
    %convert_element_type3A = arith.truncf %get3A_3 : vector<1024x16xf32> to vector<1024x16xbf16>
    %convert_element_type3A_7 = arith.truncf %get3A_6 : vector<16x16xf32> to vector<16x16xbf16>
    %dot_general3A = arith.constant dense<0.000000e+00> : vector<1024x16xf32>
    %dot_general3A_8 = tpu.matmul %convert_element_type3A, %convert_element_type3A_7, %dot_general3A {dimension_numbers = #tpu.dot_dimension_numbers<[1], [0], [0], [1], [0, 0, 1, 1], [], []>, transpose_lhs_hint = false} : vector<1024x16xbf16>, vector<16x16xbf16>, vector<1024x16xf32> -> vector<1024x16xf32>
    %convert_element_type3A_9 = arith.truncf %dot_general3A_8 : vector<1024x16xf32> to vector<1024x16xbf16>
    %convert_element_type3A_10 = arith.extf %convert_element_type3A_9 : vector<1024x16xbf16> to vector<1024x16xf32>
    %sub3A = arith.subf %dot_general3A_8, %convert_element_type3A_10 : vector<1024x16xf32>
    %convert_element_type3A_11 = arith.truncf %sub3A : vector<1024x16xf32> to vector<1024x16xbf16>
    %convert_element_type3A_12 = arith.extf %convert_element_type3A_9 : vector<1024x16xbf16> to vector<1024x16xf32>
    %sub3A_13 = arith.subf %dot_general3A_8, %convert_element_type3A_12 : vector<1024x16xf32>
    %convert_element_type3A_14 = arith.extf %convert_element_type3A_11 : vector<1024x16xbf16> to vector<1024x16xf32>
    %sub3A_15 = arith.subf %sub3A_13, %convert_element_type3A_14 : vector<1024x16xf32>
    %convert_element_type3A_16 = arith.truncf %sub3A_15 : vector<1024x16xf32> to vector<1024x16xbf16>
    %get3A_17 = arith.constant 0 : index
    %get3A_18 = arith.constant 0 : index
    %get3A_19 = arith.constant 0 : index
    %get3A_20 = vector.load %arg3[%get3A_17, %get3A_18, %get3A_19] : memref<1x256x1024xbf16, #tpu.memory_space<vmem>>, vector<1x256x1024xbf16>
    %get3A_21 = vector.shape_cast %get3A_20 : vector<1x256x1024xbf16> to vector<256x1024xbf16>
    %dot_general3A_22 = arith.constant dense<0.000000e+00> : vector<256x16xf32>
    %dot_general3A_23 = tpu.matmul %get3A_21, %convert_element_type3A_9, %dot_general3A_22 {dimension_numbers = #tpu.dot_dimension_numbers<[1], [0], [0], [1], [0, 0, 1, 1], [], []>, transpose_lhs_hint = false} : vector<256x1024xbf16>, vector<1024x16xbf16>, vector<256x16xf32> -> vector<256x16xf32>
    %dot_general3A_24 = arith.constant dense<0.000000e+00> : vector<256x16xf32>
    %dot_general3A_25 = tpu.matmul %get3A_21, %convert_element_type3A_11, %dot_general3A_24 {dimension_numbers = #tpu.dot_dimension_numbers<[1], [0], [0], [1], [0, 0, 1, 1], [], []>, transpose_lhs_hint = false} : vector<256x1024xbf16>, vector<1024x16xbf16>, vector<256x16xf32> -> vector<256x16xf32>
    %add3A = arith.addf %dot_general3A_23, %dot_general3A_25 : vector<256x16xf32>
    %dot_general3A_26 = arith.constant dense<0.000000e+00> : vector<256x16xf32>
    %dot_general3A_27 = tpu.matmul %get3A_21, %convert_element_type3A_16, %dot_general3A_26 {dimension_numbers = #tpu.dot_dimension_numbers<[1], [0], [0], [1], [0, 0, 1, 1], [], []>, transpose_lhs_hint = false} : vector<256x1024xbf16>, vector<1024x16xbf16>, vector<256x16xf32> -> vector<256x16xf32>
    %add3A_28 = arith.addf %add3A, %dot_general3A_27 : vector<256x16xf32>
    %mul3A = arith.constant 256 : i32
    %mul3A_29 = arith.muli %arg1, %mul3A : i32
    %get3A_30 = arith.constant 0 : index
    %get3A_31 = arith.index_cast %mul3A_29 : i32 to index
    %get3A_32 = arith.constant 0 : index
    %get3A_33 = vector.load %arg2[%get3A_30, %get3A_31, %get3A_32] : memref<1x1024x16xf32, #tpu.memory_space<vmem>>, vector<1x256x16xf32>
    %get3A_34 = vector.shape_cast %get3A_33 : vector<1x256x16xf32> to vector<256x16xf32>
    %get3A_35 = arith.constant 0 : index
    %get3A_36 = arith.constant 0 : index
    %get3A_37 = vector.load %arg5[%get3A_35, %get3A_36] : memref<16x16xf32, #tpu.memory_space<vmem>>, vector<16x16xf32>
    %convert_element_type3A_38 = arith.truncf %get3A_34 : vector<256x16xf32> to vector<256x16xbf16>
    %convert_element_type3A_39 = arith.truncf %get3A_37 : vector<16x16xf32> to vector<16x16xbf16>
    %dot_general3A_40 = arith.constant dense<0.000000e+00> : vector<256x16xf32>
    %dot_general3A_41 = tpu.matmul %convert_element_type3A_38, %convert_element_type3A_39, %dot_general3A_40 {dimension_numbers = #tpu.dot_dimension_numbers<[1], [0], [0], [1], [0, 0, 1, 1], [], []>, transpose_lhs_hint = false} : vector<256x16xbf16>, vector<16x16xbf16>, vector<256x16xf32> -> vector<256x16xf32>
    %add3A_42 = arith.addf %dot_general3A_41, %add3A_28 : vector<256x16xf32>
    %get3A_43 = arith.constant 0 : index
    %get3A_44 = arith.constant 0 : index
    %get3A_45 = arith.constant 0 : index
    %get3A_46 = vector.load %arg4[%get3A_43, %get3A_44, %get3A_45] : memref<1x256x16xf32, #tpu.memory_space<vmem>>, vector<1x256x16xf32>
    %get3A_47 = vector.shape_cast %get3A_46 : vector<1x256x16xf32> to vector<256x16xf32>
    %add3A_48 = arith.addf %add3A_42, %get3A_47 : vector<256x16xf32>
    %get3A_49 = arith.constant 0 : index
    %get3A_50 = arith.constant 0 : index
    %get3A_51 = vector.load %arg7[%get3A_49, %get3A_50] : memref<1x16xf32, #tpu.memory_space<vmem>>, vector<1x16xf32>
    %add3A_52 = vector.broadcast %get3A_51 : vector<1x16xf32> to vector<256x16xf32>
    %add3A_53 = arith.addf %add3A_48, %add3A_52 : vector<256x16xf32>
    %max3A = arith.constant 0.000000e+00 : f32
    %max3A_54 = vector.broadcast %max3A : f32 to vector<256x16xf32>
    %max3A_55 = arith.maximumf %add3A_53, %max3A_54 : vector<256x16xf32>
    %swap3A = arith.constant 0 : index
    %swap3A_56 = arith.constant 0 : index
    %swap3A_57 = arith.constant 0 : index
    %swap3A_58 = vector.load %arg8[%swap3A, %swap3A_56, %swap3A_57] : memref<1x256x16xf32, #tpu.memory_space<vmem>>, vector<1x256x16xf32>
    %swap3A_59 = vector.shape_cast %swap3A_58 : vector<1x256x16xf32> to vector<256x16xf32>
    %swap3A_60 = vector.shape_cast %max3A_55 : vector<256x16xf32> to vector<1x256x16xf32>
    tpu.vector_store %arg8[%swap3A, %swap3A_56, %swap3A_57], %swap3A_60 {strides = array<i32>} : memref<1x256x16xf32, #tpu.memory_space<vmem>>, vector<1x256x16xf32>,
    return
  }
  func.func @transform_0(%arg0: i32, %arg1: i32) -> (i32, i32, i32) {
    %c0_i32 = arith.constant 0 : i32
    %c0_i32_0 = arith.constant 0 : i32
    %c0_i32_1 = arith.constant 0 : i32
    return %arg0, %c0_i32, %c0_i32_0 : i32, i32, i32
  }
  func.func @transform_1(%arg0: i32, %arg1: i32) -> (i32, i32, i32) {
    %c0_i32 = arith.constant 0 : i32
    %c0_i32_0 = arith.constant 0 : i32
    return %arg0, %arg1, %c0_i32 : i32, i32, i32
  }
  func.func @transform_2(%arg0: i32, %arg1: i32) -> (i32, i32, i32) {
    %c0_i32 = arith.constant 0 : i32
    %c0_i32_0 = arith.constant 0 : i32
    return %arg0, %arg1, %c0_i32 : i32, i32, i32
  }
  func.func @transform_3(%arg0: i32, %arg1: i32) -> (i32, i32) {
    %c0_i32 = arith.constant 0 : i32
    %c0_i32_0 = arith.constant 0 : i32
    %c0_i32_1 = arith.constant 0 : i32
    return %c0_i32, %c0_i32_0 : i32, i32
  }
  func.func @transform_4(%arg0: i32, %arg1: i32) -> (i32, i32) {
    %c0_i32 = arith.constant 0 : i32
    %c0_i32_0 = arith.constant 0 : i32
    %c0_i32_1 = arith.constant 0 : i32
    return %c0_i32, %c0_i32_0 : i32, i32
  }
  func.func @transform_5(%arg0: i32, %arg1: i32) -> (i32, i32) {
    %c0_i32 = arith.constant 0 : i32
    %c0_i32_0 = arith.constant 0 : i32
    %c0_i32_1 = arith.constant 0 : i32
    return %c0_i32, %c0_i32_0 : i32, i32
  }
  func.func @transform_6(%arg0: i32, %arg1: i32) -> (i32, i32, i32) {
    %c0_i32 = arith.constant 0 : i32
    %c0_i32_0 = arith.constant 0 : i32
    return %arg0, %arg1, %c0_i32 : i32, i32, i32
  }
}

module attributes {stable_mosaic.version = 14 : i64} {
  func.func @_ot_kernel(%arg0: i32, %arg1: memref<1x1024x16xf32, #tpu.memory_space<vmem>>, %arg2: memref<128x128xf32, #tpu.memory_space<vmem>>) attributes {dimension_semantics = [#tpu.dimension_semantics<arbitrary>], iteration_bounds = array<i64: 1>, scalar_prefetch = 0 : i64, scratch_operands = 0 : i64, tpu.core_type = #tpu.core_type<tc>, window_params = [{transform_indices = @transform_0, window_bounds = array<i64: 1, 1024, 16>}, {pipeline_mode = #tpu.pipeline_mode<synchronous>, transform_indices = @transform_1, window_bounds = array<i64: 128, 128>}]} {
    %get3A = arith.constant 0 : index
    %get3A_0 = arith.constant 0 : index
    %get3A_1 = arith.constant 0 : index
    %get3A_2 = vector.load %arg1[%get3A, %get3A_0, %get3A_1] : memref<1x1024x16xf32, #tpu.memory_space<vmem>>, vector<1x1024x16xf32>
    %get3A_3 = vector.shape_cast %get3A_2 : vector<1x1024x16xf32> to vector<1024x16xf32>
    %convert_element_type3A = arith.truncf %get3A_3 : vector<1024x16xf32> to vector<1024x16xbf16>
    %convert_element_type3A_4 = arith.extf %convert_element_type3A : vector<1024x16xbf16> to vector<1024x16xf32>
    %sub3A = arith.subf %get3A_3, %convert_element_type3A_4 : vector<1024x16xf32>
    %convert_element_type3A_5 = arith.truncf %sub3A : vector<1024x16xf32> to vector<1024x16xbf16>
    %convert_element_type3A_6 = arith.extf %convert_element_type3A : vector<1024x16xbf16> to vector<1024x16xf32>
    %sub3A_7 = arith.subf %get3A_3, %convert_element_type3A_6 : vector<1024x16xf32>
    %convert_element_type3A_8 = arith.extf %convert_element_type3A_5 : vector<1024x16xbf16> to vector<1024x16xf32>
    %sub3A_9 = arith.subf %sub3A_7, %convert_element_type3A_8 : vector<1024x16xf32>
    %convert_element_type3A_10 = arith.truncf %sub3A_9 : vector<1024x16xf32> to vector<1024x16xbf16>
    %iota3A = tpu.iota {dimensions = array<i32: 0>} : vector<128x1024xi32>
    %iota3A_11 = tpu.iota {dimensions = array<i32: 1>} : vector<128x1024xi32>
    %mul3A = arith.constant 8 : i32
    %mul3A_12 = vector.broadcast %mul3A : i32 to vector<128x1024xi32>
    %mul3A_13 = arith.muli %mul3A_12, %iota3A : vector<128x1024xi32>
    %add3A = arith.constant 0 : i32
    %add3A_14 = vector.broadcast %add3A : i32 to vector<128x1024xi32>
    %add3A_15 = arith.addi %mul3A_13, %add3A_14 : vector<128x1024xi32>
    %eq3A = arith.cmpi eq, %iota3A_11, %add3A_15 : vector<128x1024xi32>
    %convert_element_type3A_16 = arith.extui %eq3A : vector<128x1024xi1> to vector<128x1024xi32>
    %convert_element_type3A_17 = arith.sitofp %convert_element_type3A_16 : vector<128x1024xi32> to vector<128x1024xf32>
    %convert_element_type3A_18 = arith.truncf %convert_element_type3A_17 : vector<128x1024xf32> to vector<128x1024xbf16>
    %dot_general3A = arith.constant dense<0.000000e+00> : vector<128x16xf32>
    %dot_general3A_19 = tpu.matmul %convert_element_type3A_18, %convert_element_type3A, %dot_general3A {dimension_numbers = #tpu.dot_dimension_numbers<[1], [0], [0], [1], [0, 0, 1, 1], [], []>, transpose_lhs_hint = false} : vector<128x1024xbf16>, vector<1024x16xbf16>, vector<128x16xf32> -> vector<128x16xf32>
    %dot_general3A_20 = arith.constant dense<0.000000e+00> : vector<128x16xf32>
    %dot_general3A_21 = tpu.matmul %convert_element_type3A_18, %convert_element_type3A_5, %dot_general3A_20 {dimension_numbers = #tpu.dot_dimension_numbers<[1], [0], [0], [1], [0, 0, 1, 1], [], []>, transpose_lhs_hint = false} : vector<128x1024xbf16>, vector<1024x16xbf16>, vector<128x16xf32> -> vector<128x16xf32>
    %add3A_22 = arith.addf %dot_general3A_19, %dot_general3A_21 : vector<128x16xf32>
    %dot_general3A_23 = arith.constant dense<0.000000e+00> : vector<128x16xf32>
    %dot_general3A_24 = tpu.matmul %convert_element_type3A_18, %convert_element_type3A_10, %dot_general3A_23 {dimension_numbers = #tpu.dot_dimension_numbers<[1], [0], [0], [1], [0, 0, 1, 1], [], []>, transpose_lhs_hint = false} : vector<128x1024xbf16>, vector<1024x16xbf16>, vector<128x16xf32> -> vector<128x16xf32>
    %add3A_25 = arith.addf %add3A_22, %dot_general3A_24 : vector<128x16xf32>
    %mul3A_26 = arith.constant 8 : i32
    %mul3A_27 = vector.broadcast %mul3A_26 : i32 to vector<128x1024xi32>
    %mul3A_28 = arith.muli %mul3A_27, %iota3A : vector<128x1024xi32>
    %add3A_29 = arith.constant 1 : i32
    %add3A_30 = vector.broadcast %add3A_29 : i32 to vector<128x1024xi32>
    %add3A_31 = arith.addi %mul3A_28, %add3A_30 : vector<128x1024xi32>
    %eq3A_32 = arith.cmpi eq, %iota3A_11, %add3A_31 : vector<128x1024xi32>
    %convert_element_type3A_33 = arith.extui %eq3A_32 : vector<128x1024xi1> to vector<128x1024xi32>
    %convert_element_type3A_34 = arith.sitofp %convert_element_type3A_33 : vector<128x1024xi32> to vector<128x1024xf32>
    %convert_element_type3A_35 = arith.truncf %convert_element_type3A_34 : vector<128x1024xf32> to vector<128x1024xbf16>
    %dot_general3A_36 = arith.constant dense<0.000000e+00> : vector<128x16xf32>
    %dot_general3A_37 = tpu.matmul %convert_element_type3A_35, %convert_element_type3A, %dot_general3A_36 {dimension_numbers = #tpu.dot_dimension_numbers<[1], [0], [0], [1], [0, 0, 1, 1], [], []>, transpose_lhs_hint = false} : vector<128x1024xbf16>, vector<1024x16xbf16>, vector<128x16xf32> -> vector<128x16xf32>
    %dot_general3A_38 = arith.constant dense<0.000000e+00> : vector<128x16xf32>
    %dot_general3A_39 = tpu.matmul %convert_element_type3A_35, %convert_element_type3A_5, %dot_general3A_38 {dimension_numbers = #tpu.dot_dimension_numbers<[1], [0], [0], [1], [0, 0, 1, 1], [], []>, transpose_lhs_hint = false} : vector<128x1024xbf16>, vector<1024x16xbf16>, vector<128x16xf32> -> vector<128x16xf32>
    %add3A_40 = arith.addf %dot_general3A_37, %dot_general3A_39 : vector<128x16xf32>
    %dot_general3A_41 = arith.constant dense<0.000000e+00> : vector<128x16xf32>
    %dot_general3A_42 = tpu.matmul %convert_element_type3A_35, %convert_element_type3A_10, %dot_general3A_41 {dimension_numbers = #tpu.dot_dimension_numbers<[1], [0], [0], [1], [0, 0, 1, 1], [], []>, transpose_lhs_hint = false} : vector<128x1024xbf16>, vector<1024x16xbf16>, vector<128x16xf32> -> vector<128x16xf32>
    %add3A_43 = arith.addf %add3A_40, %dot_general3A_42 : vector<128x16xf32>
    %mul3A_44 = arith.constant 8 : i32
    %mul3A_45 = vector.broadcast %mul3A_44 : i32 to vector<128x1024xi32>
    %mul3A_46 = arith.muli %mul3A_45, %iota3A : vector<128x1024xi32>
    %add3A_47 = arith.constant 2 : i32
    %add3A_48 = vector.broadcast %add3A_47 : i32 to vector<128x1024xi32>
    %add3A_49 = arith.addi %mul3A_46, %add3A_48 : vector<128x1024xi32>
    %eq3A_50 = arith.cmpi eq, %iota3A_11, %add3A_49 : vector<128x1024xi32>
    %convert_element_type3A_51 = arith.extui %eq3A_50 : vector<128x1024xi1> to vector<128x1024xi32>
    %convert_element_type3A_52 = arith.sitofp %convert_element_type3A_51 : vector<128x1024xi32> to vector<128x1024xf32>
    %convert_element_type3A_53 = arith.truncf %convert_element_type3A_52 : vector<128x1024xf32> to vector<128x1024xbf16>
    %dot_general3A_54 = arith.constant dense<0.000000e+00> : vector<128x16xf32>
    %dot_general3A_55 = tpu.matmul %convert_element_type3A_53, %convert_element_type3A, %dot_general3A_54 {dimension_numbers = #tpu.dot_dimension_numbers<[1], [0], [0], [1], [0, 0, 1, 1], [], []>, transpose_lhs_hint = false} : vector<128x1024xbf16>, vector<1024x16xbf16>, vector<128x16xf32> -> vector<128x16xf32>
    %dot_general3A_56 = arith.constant dense<0.000000e+00> : vector<128x16xf32>
    %dot_general3A_57 = tpu.matmul %convert_element_type3A_53, %convert_element_type3A_5, %dot_general3A_56 {dimension_numbers = #tpu.dot_dimension_numbers<[1], [0], [0], [1], [0, 0, 1, 1], [], []>, transpose_lhs_hint = false} : vector<128x1024xbf16>, vector<1024x16xbf16>, vector<128x16xf32> -> vector<128x16xf32>
    %add3A_58 = arith.addf %dot_general3A_55, %dot_general3A_57 : vector<128x16xf32>
    %dot_general3A_59 = arith.constant dense<0.000000e+00> : vector<128x16xf32>
    %dot_general3A_60 = tpu.matmul %convert_element_type3A_53, %convert_element_type3A_10, %dot_general3A_59 {dimension_numbers = #tpu.dot_dimension_numbers<[1], [0], [0], [1], [0, 0, 1, 1], [], []>, transpose_lhs_hint = false} : vector<128x1024xbf16>, vector<1024x16xbf16>, vector<128x16xf32> -> vector<128x16xf32>
    %add3A_61 = arith.addf %add3A_58, %dot_general3A_60 : vector<128x16xf32>
    %mul3A_62 = arith.constant 8 : i32
    %mul3A_63 = vector.broadcast %mul3A_62 : i32 to vector<128x1024xi32>
    %mul3A_64 = arith.muli %mul3A_63, %iota3A : vector<128x1024xi32>
    %add3A_65 = arith.constant 3 : i32
    %add3A_66 = vector.broadcast %add3A_65 : i32 to vector<128x1024xi32>
    %add3A_67 = arith.addi %mul3A_64, %add3A_66 : vector<128x1024xi32>
    %eq3A_68 = arith.cmpi eq, %iota3A_11, %add3A_67 : vector<128x1024xi32>
    %convert_element_type3A_69 = arith.extui %eq3A_68 : vector<128x1024xi1> to vector<128x1024xi32>
    %convert_element_type3A_70 = arith.sitofp %convert_element_type3A_69 : vector<128x1024xi32> to vector<128x1024xf32>
    %convert_element_type3A_71 = arith.truncf %convert_element_type3A_70 : vector<128x1024xf32> to vector<128x1024xbf16>
    %dot_general3A_72 = arith.constant dense<0.000000e+00> : vector<128x16xf32>
    %dot_general3A_73 = tpu.matmul %convert_element_type3A_71, %convert_element_type3A, %dot_general3A_72 {dimension_numbers = #tpu.dot_dimension_numbers<[1], [0], [0], [1], [0, 0, 1, 1], [], []>, transpose_lhs_hint = false} : vector<128x1024xbf16>, vector<1024x16xbf16>, vector<128x16xf32> -> vector<128x16xf32>
    %dot_general3A_74 = arith.constant dense<0.000000e+00> : vector<128x16xf32>
    %dot_general3A_75 = tpu.matmul %convert_element_type3A_71, %convert_element_type3A_5, %dot_general3A_74 {dimension_numbers = #tpu.dot_dimension_numbers<[1], [0], [0], [1], [0, 0, 1, 1], [], []>, transpose_lhs_hint = false} : vector<128x1024xbf16>, vector<1024x16xbf16>, vector<128x16xf32> -> vector<128x16xf32>
    %add3A_76 = arith.addf %dot_general3A_73, %dot_general3A_75 : vector<128x16xf32>
    %dot_general3A_77 = arith.constant dense<0.000000e+00> : vector<128x16xf32>
    %dot_general3A_78 = tpu.matmul %convert_element_type3A_71, %convert_element_type3A_10, %dot_general3A_77 {dimension_numbers = #tpu.dot_dimension_numbers<[1], [0], [0], [1], [0, 0, 1, 1], [], []>, transpose_lhs_hint = false} : vector<128x1024xbf16>, vector<1024x16xbf16>, vector<128x16xf32> -> vector<128x16xf32>
    %add3A_79 = arith.addf %add3A_76, %dot_general3A_78 : vector<128x16xf32>
    %mul3A_80 = arith.constant 8 : i32
    %mul3A_81 = vector.broadcast %mul3A_80 : i32 to vector<128x1024xi32>
    %mul3A_82 = arith.muli %mul3A_81, %iota3A : vector<128x1024xi32>
    %add3A_83 = arith.constant 4 : i32
    %add3A_84 = vector.broadcast %add3A_83 : i32 to vector<128x1024xi32>
    %add3A_85 = arith.addi %mul3A_82, %add3A_84 : vector<128x1024xi32>
    %eq3A_86 = arith.cmpi eq, %iota3A_11, %add3A_85 : vector<128x1024xi32>
    %convert_element_type3A_87 = arith.extui %eq3A_86 : vector<128x1024xi1> to vector<128x1024xi32>
    %convert_element_type3A_88 = arith.sitofp %convert_element_type3A_87 : vector<128x1024xi32> to vector<128x1024xf32>
    %convert_element_type3A_89 = arith.truncf %convert_element_type3A_88 : vector<128x1024xf32> to vector<128x1024xbf16>
    %dot_general3A_90 = arith.constant dense<0.000000e+00> : vector<128x16xf32>
    %dot_general3A_91 = tpu.matmul %convert_element_type3A_89, %convert_element_type3A, %dot_general3A_90 {dimension_numbers = #tpu.dot_dimension_numbers<[1], [0], [0], [1], [0, 0, 1, 1], [], []>, transpose_lhs_hint = false} : vector<128x1024xbf16>, vector<1024x16xbf16>, vector<128x16xf32> -> vector<128x16xf32>
    %dot_general3A_92 = arith.constant dense<0.000000e+00> : vector<128x16xf32>
    %dot_general3A_93 = tpu.matmul %convert_element_type3A_89, %convert_element_type3A_5, %dot_general3A_92 {dimension_numbers = #tpu.dot_dimension_numbers<[1], [0], [0], [1], [0, 0, 1, 1], [], []>, transpose_lhs_hint = false} : vector<128x1024xbf16>, vector<1024x16xbf16>, vector<128x16xf32> -> vector<128x16xf32>
    %add3A_94 = arith.addf %dot_general3A_91, %dot_general3A_93 : vector<128x16xf32>
    %dot_general3A_95 = arith.constant dense<0.000000e+00> : vector<128x16xf32>
    %dot_general3A_96 = tpu.matmul %convert_element_type3A_89, %convert_element_type3A_10, %dot_general3A_95 {dimension_numbers = #tpu.dot_dimension_numbers<[1], [0], [0], [1], [0, 0, 1, 1], [], []>, transpose_lhs_hint = false} : vector<128x1024xbf16>, vector<1024x16xbf16>, vector<128x16xf32> -> vector<128x16xf32>
    %add3A_97 = arith.addf %add3A_94, %dot_general3A_96 : vector<128x16xf32>
    %mul3A_98 = arith.constant 8 : i32
    %mul3A_99 = vector.broadcast %mul3A_98 : i32 to vector<128x1024xi32>
    %mul3A_100 = arith.muli %mul3A_99, %iota3A : vector<128x1024xi32>
    %add3A_101 = arith.constant 5 : i32
    %add3A_102 = vector.broadcast %add3A_101 : i32 to vector<128x1024xi32>
    %add3A_103 = arith.addi %mul3A_100, %add3A_102 : vector<128x1024xi32>
    %eq3A_104 = arith.cmpi eq, %iota3A_11, %add3A_103 : vector<128x1024xi32>
    %convert_element_type3A_105 = arith.extui %eq3A_104 : vector<128x1024xi1> to vector<128x1024xi32>
    %convert_element_type3A_106 = arith.sitofp %convert_element_type3A_105 : vector<128x1024xi32> to vector<128x1024xf32>
    %convert_element_type3A_107 = arith.truncf %convert_element_type3A_106 : vector<128x1024xf32> to vector<128x1024xbf16>
    %dot_general3A_108 = arith.constant dense<0.000000e+00> : vector<128x16xf32>
    %dot_general3A_109 = tpu.matmul %convert_element_type3A_107, %convert_element_type3A, %dot_general3A_108 {dimension_numbers = #tpu.dot_dimension_numbers<[1], [0], [0], [1], [0, 0, 1, 1], [], []>, transpose_lhs_hint = false} : vector<128x1024xbf16>, vector<1024x16xbf16>, vector<128x16xf32> -> vector<128x16xf32>
    %dot_general3A_110 = arith.constant dense<0.000000e+00> : vector<128x16xf32>
    %dot_general3A_111 = tpu.matmul %convert_element_type3A_107, %convert_element_type3A_5, %dot_general3A_110 {dimension_numbers = #tpu.dot_dimension_numbers<[1], [0], [0], [1], [0, 0, 1, 1], [], []>, transpose_lhs_hint = false} : vector<128x1024xbf16>, vector<1024x16xbf16>, vector<128x16xf32> -> vector<128x16xf32>
    %add3A_112 = arith.addf %dot_general3A_109, %dot_general3A_111 : vector<128x16xf32>
    %dot_general3A_113 = arith.constant dense<0.000000e+00> : vector<128x16xf32>
    %dot_general3A_114 = tpu.matmul %convert_element_type3A_107, %convert_element_type3A_10, %dot_general3A_113 {dimension_numbers = #tpu.dot_dimension_numbers<[1], [0], [0], [1], [0, 0, 1, 1], [], []>, transpose_lhs_hint = false} : vector<128x1024xbf16>, vector<1024x16xbf16>, vector<128x16xf32> -> vector<128x16xf32>
    %add3A_115 = arith.addf %add3A_112, %dot_general3A_114 : vector<128x16xf32>
    %mul3A_116 = arith.constant 8 : i32
    %mul3A_117 = vector.broadcast %mul3A_116 : i32 to vector<128x1024xi32>
    %mul3A_118 = arith.muli %mul3A_117, %iota3A : vector<128x1024xi32>
    %add3A_119 = arith.constant 6 : i32
    %add3A_120 = vector.broadcast %add3A_119 : i32 to vector<128x1024xi32>
    %add3A_121 = arith.addi %mul3A_118, %add3A_120 : vector<128x1024xi32>
    %eq3A_122 = arith.cmpi eq, %iota3A_11, %add3A_121 : vector<128x1024xi32>
    %convert_element_type3A_123 = arith.extui %eq3A_122 : vector<128x1024xi1> to vector<128x1024xi32>
    %convert_element_type3A_124 = arith.sitofp %convert_element_type3A_123 : vector<128x1024xi32> to vector<128x1024xf32>
    %convert_element_type3A_125 = arith.truncf %convert_element_type3A_124 : vector<128x1024xf32> to vector<128x1024xbf16>
    %dot_general3A_126 = arith.constant dense<0.000000e+00> : vector<128x16xf32>
    %dot_general3A_127 = tpu.matmul %convert_element_type3A_125, %convert_element_type3A, %dot_general3A_126 {dimension_numbers = #tpu.dot_dimension_numbers<[1], [0], [0], [1], [0, 0, 1, 1], [], []>, transpose_lhs_hint = false} : vector<128x1024xbf16>, vector<1024x16xbf16>, vector<128x16xf32> -> vector<128x16xf32>
    %dot_general3A_128 = arith.constant dense<0.000000e+00> : vector<128x16xf32>
    %dot_general3A_129 = tpu.matmul %convert_element_type3A_125, %convert_element_type3A_5, %dot_general3A_128 {dimension_numbers = #tpu.dot_dimension_numbers<[1], [0], [0], [1], [0, 0, 1, 1], [], []>, transpose_lhs_hint = false} : vector<128x1024xbf16>, vector<1024x16xbf16>, vector<128x16xf32> -> vector<128x16xf32>
    %add3A_130 = arith.addf %dot_general3A_127, %dot_general3A_129 : vector<128x16xf32>
    %dot_general3A_131 = arith.constant dense<0.000000e+00> : vector<128x16xf32>
    %dot_general3A_132 = tpu.matmul %convert_element_type3A_125, %convert_element_type3A_10, %dot_general3A_131 {dimension_numbers = #tpu.dot_dimension_numbers<[1], [0], [0], [1], [0, 0, 1, 1], [], []>, transpose_lhs_hint = false} : vector<128x1024xbf16>, vector<1024x16xbf16>, vector<128x16xf32> -> vector<128x16xf32>
    %add3A_133 = arith.addf %add3A_130, %dot_general3A_132 : vector<128x16xf32>
    %mul3A_134 = arith.constant 8 : i32
    %mul3A_135 = vector.broadcast %mul3A_134 : i32 to vector<128x1024xi32>
    %mul3A_136 = arith.muli %mul3A_135, %iota3A : vector<128x1024xi32>
    %add3A_137 = arith.constant 7 : i32
    %add3A_138 = vector.broadcast %add3A_137 : i32 to vector<128x1024xi32>
    %add3A_139 = arith.addi %mul3A_136, %add3A_138 : vector<128x1024xi32>
    %eq3A_140 = arith.cmpi eq, %iota3A_11, %add3A_139 : vector<128x1024xi32>
    %convert_element_type3A_141 = arith.extui %eq3A_140 : vector<128x1024xi1> to vector<128x1024xi32>
    %convert_element_type3A_142 = arith.sitofp %convert_element_type3A_141 : vector<128x1024xi32> to vector<128x1024xf32>
    %convert_element_type3A_143 = arith.truncf %convert_element_type3A_142 : vector<128x1024xf32> to vector<128x1024xbf16>
    %dot_general3A_144 = arith.constant dense<0.000000e+00> : vector<128x16xf32>
    %dot_general3A_145 = tpu.matmul %convert_element_type3A_143, %convert_element_type3A, %dot_general3A_144 {dimension_numbers = #tpu.dot_dimension_numbers<[1], [0], [0], [1], [0, 0, 1, 1], [], []>, transpose_lhs_hint = false} : vector<128x1024xbf16>, vector<1024x16xbf16>, vector<128x16xf32> -> vector<128x16xf32>
    %dot_general3A_146 = arith.constant dense<0.000000e+00> : vector<128x16xf32>
    %dot_general3A_147 = tpu.matmul %convert_element_type3A_143, %convert_element_type3A_5, %dot_general3A_146 {dimension_numbers = #tpu.dot_dimension_numbers<[1], [0], [0], [1], [0, 0, 1, 1], [], []>, transpose_lhs_hint = false} : vector<128x1024xbf16>, vector<1024x16xbf16>, vector<128x16xf32> -> vector<128x16xf32>
    %add3A_148 = arith.addf %dot_general3A_145, %dot_general3A_147 : vector<128x16xf32>
    %dot_general3A_149 = arith.constant dense<0.000000e+00> : vector<128x16xf32>
    %dot_general3A_150 = tpu.matmul %convert_element_type3A_143, %convert_element_type3A_10, %dot_general3A_149 {dimension_numbers = #tpu.dot_dimension_numbers<[1], [0], [0], [1], [0, 0, 1, 1], [], []>, transpose_lhs_hint = false} : vector<128x1024xbf16>, vector<1024x16xbf16>, vector<128x16xf32> -> vector<128x16xf32>
    %add3A_151 = arith.addf %add3A_148, %dot_general3A_150 : vector<128x16xf32>
    %concatenate3A = tpu.concatenate %add3A_25, %add3A_43, %add3A_61, %add3A_79, %add3A_97, %add3A_115, %add3A_133, %add3A_151 in 1 : vector<128x16xf32>, vector<128x16xf32>, vector<128x16xf32>, vector<128x16xf32>, vector<128x16xf32>, vector<128x16xf32>, vector<128x16xf32>, vector<128x16xf32> -> vector<128x128xf32>
    %swap3A = arith.constant 0 : index
    %swap3A_152 = arith.constant 0 : index
    %swap3A_153 = vector.load %arg2[%swap3A, %swap3A_152] : memref<128x128xf32, #tpu.memory_space<vmem>>, vector<128x128xf32>
    tpu.vector_store %arg2[%swap3A, %swap3A_152], %concatenate3A {strides = array<i32>} : memref<128x128xf32, #tpu.memory_space<vmem>>, vector<128x128xf32>,
    return
  }
  func.func @transform_0(%arg0: i32) -> (i32, i32, i32) {
    %c1_i32 = arith.constant 1 : i32
    %c0_i32 = arith.constant 0 : i32
    %c0_i32_0 = arith.constant 0 : i32
    %c0_i32_1 = arith.constant 0 : i32
    return %c1_i32, %c0_i32, %c0_i32_0 : i32, i32, i32
  }
  func.func @transform_1(%arg0: i32) -> (i32, i32) {
    %c0_i32 = arith.constant 0 : i32
    %c0_i32_0 = arith.constant 0 : i32
    %c0_i32_1 = arith.constant 0 : i32
    return %c0_i32, %c0_i32_0 : i32, i32
  }
}

module attributes {stable_mosaic.version = 14 : i64} {
  func.func @_update_kernel(%arg0: i32, %arg1: memref<1024x128xf32, #tpu.memory_space<vmem>>, %arg2: memref<1x1024x16xf32, #tpu.memory_space<vmem>>, %arg3: memref<128x128xf32, #tpu.memory_space<vmem>>, %arg4: memref<128x128xf32, #tpu.memory_space<vmem>>, %arg5: memref<1x128xf32, #tpu.memory_space<vmem>>, %arg6: memref<128x8xf32, #tpu.memory_space<vmem>>, %arg7: memref<1x1xf32, #tpu.memory_space<vmem>>, %arg8: memref<1024x128xf32, #tpu.memory_space<vmem>>) attributes {dimension_semantics = [#tpu.dimension_semantics<arbitrary>], iteration_bounds = array<i64: 8>, scalar_prefetch = 0 : i64, scratch_operands = 0 : i64, tpu.core_type = #tpu.core_type<tc>, window_params = [{transform_indices = @transform_0, window_bounds = array<i64: 1024, 128>}, {transform_indices = @transform_1, window_bounds = array<i64: 1, 1024, 16>}, {pipeline_mode = #tpu.pipeline_mode<synchronous>, transform_indices = @transform_2, window_bounds = array<i64: 128, 128>}, {pipeline_mode = #tpu.pipeline_mode<synchronous>, transform_indices = @transform_3, window_bounds = array<i64: 128, 128>}, {pipeline_mode = #tpu.pipeline_mode<synchronous>, transform_indices = @transform_4, window_bounds = array<i64: 1, 128>}, {pipeline_mode = #tpu.pipeline_mode<synchronous>, transform_indices = @transform_5, window_bounds = array<i64: 128, 8>}, {pipeline_mode = #tpu.pipeline_mode<synchronous>, transform_indices = @transform_6, window_bounds = array<i64: 1, 1>}, {transform_indices = @transform_7, window_bounds = array<i64: 1024, 128>}]} {
    %get3A = arith.constant 0 : index
    %get3A_0 = arith.constant 0 : index
    %get3A_1 = arith.constant 0 : index
    %get3A_2 = vector.load %arg2[%get3A, %get3A_0, %get3A_1] : memref<1x1024x16xf32, #tpu.memory_space<vmem>>, vector<1x1024x16xf32>
    %get3A_3 = vector.shape_cast %get3A_2 : vector<1x1024x16xf32> to vector<1024x16xf32>
    %concatenate3A = tpu.concatenate %get3A_3, %get3A_3, %get3A_3, %get3A_3, %get3A_3, %get3A_3, %get3A_3, %get3A_3 in 1 : vector<1024x16xf32>, vector<1024x16xf32>, vector<1024x16xf32>, vector<1024x16xf32>, vector<1024x16xf32>, vector<1024x16xf32>, vector<1024x16xf32>, vector<1024x16xf32> -> vector<1024x128xf32>
    %get3A_4 = arith.constant 0 : index
    %get3A_5 = arith.constant 0 : index
    %get3A_6 = vector.load %arg5[%get3A_4, %get3A_5] : memref<1x128xf32, #tpu.memory_space<vmem>>, vector<1x128xf32>
    %mul3A = arith.constant 16 : i32
    %mul3A_7 = arith.muli %arg0, %mul3A : i32
    %add3A = arith.constant 0 : i32
    %add3A_8 = arith.addi %mul3A_7, %add3A : i32
    %get3A_9 = arith.index_cast %add3A_8 : i32 to index
    %get3A_10 = arith.constant 0 : index
    %get3A_11 = vector.load %arg3[%get3A_9, %get3A_10] : memref<128x128xf32, #tpu.memory_space<vmem>>, vector<1x128xf32>
    %sub3A = vector.broadcast %get3A_11 : vector<1x128xf32> to vector<1024x128xf32>
    %sub3A_12 = arith.subf %concatenate3A, %sub3A : vector<1024x128xf32>
    %get3A_13 = arith.constant 0 : index
    %get3A_14 = arith.constant 0 : index
    %get3A_15 = vector.load %arg4[%get3A_13, %get3A_14] : memref<128x128xf32, #tpu.memory_space<vmem>>, vector<128x128xf32>
    %convert_element_type3A = arith.truncf %sub3A_12 : vector<1024x128xf32> to vector<1024x128xbf16>
    %convert_element_type3A_16 = arith.truncf %get3A_15 : vector<128x128xf32> to vector<128x128xbf16>
    %dot_general3A = arith.constant dense<0.000000e+00> : vector<1024x128xf32>
    %dot_general3A_17 = tpu.matmul %convert_element_type3A, %convert_element_type3A_16, %dot_general3A {dimension_numbers = #tpu.dot_dimension_numbers<[1], [0], [0], [1], [0, 0, 1, 1], [], []>, transpose_lhs_hint = false} : vector<1024x128xbf16>, vector<128x128xbf16>, vector<1024x128xf32> -> vector<1024x128xf32>
    %add3A_18 = vector.broadcast %get3A_6 : vector<1x128xf32> to vector<1024x128xf32>
    %add3A_19 = arith.addf %dot_general3A_17, %add3A_18 : vector<1024x128xf32>
    %max3A = arith.constant 0.000000e+00 : f32
    %max3A_20 = vector.broadcast %max3A : f32 to vector<1024x128xf32>
    %max3A_21 = arith.maximumf %add3A_19, %max3A_20 : vector<1024x128xf32>
    %get3A_22 = arith.constant 0 : index
    %get3A_23 = arith.constant 0 : index
    %get3A_24 = vector.load %arg6[%get3A_22, %get3A_23] : memref<128x8xf32, #tpu.memory_space<vmem>>, vector<128x8xf32>
    %convert_element_type3A_25 = arith.truncf %max3A_21 : vector<1024x128xf32> to vector<1024x128xbf16>
    %convert_element_type3A_26 = arith.truncf %get3A_24 : vector<128x8xf32> to vector<128x8xbf16>
    %dot_general3A_27 = arith.constant dense<0.000000e+00> : vector<1024x8xf32>
    %dot_general3A_28 = tpu.matmul %convert_element_type3A_25, %convert_element_type3A_26, %dot_general3A_27 {dimension_numbers = #tpu.dot_dimension_numbers<[1], [0], [0], [1], [0, 0, 1, 1], [], []>, transpose_lhs_hint = false} : vector<1024x128xbf16>, vector<128x8xbf16>, vector<1024x8xf32> -> vector<1024x8xf32>
    %mul3A_29 = arith.constant 16 : i32
    %mul3A_30 = arith.muli %arg0, %mul3A_29 : i32
    %add3A_31 = arith.constant 1 : i32
    %add3A_32 = arith.addi %mul3A_30, %add3A_31 : i32
    %get3A_33 = arith.index_cast %add3A_32 : i32 to index
    %get3A_34 = arith.constant 0 : index
    %get3A_35 = vector.load %arg3[%get3A_33, %get3A_34] : memref<128x128xf32, #tpu.memory_space<vmem>>, vector<1x128xf32>
    %sub3A_36 = vector.broadcast %get3A_35 : vector<1x128xf32> to vector<1024x128xf32>
    %sub3A_37 = arith.subf %concatenate3A, %sub3A_36 : vector<1024x128xf32>
    %get3A_38 = arith.constant 0 : index
    %get3A_39 = arith.constant 0 : index
    %get3A_40 = vector.load %arg4[%get3A_38, %get3A_39] : memref<128x128xf32, #tpu.memory_space<vmem>>, vector<128x128xf32>
    %convert_element_type3A_41 = arith.truncf %sub3A_37 : vector<1024x128xf32> to vector<1024x128xbf16>
    %convert_element_type3A_42 = arith.truncf %get3A_40 : vector<128x128xf32> to vector<128x128xbf16>
    %dot_general3A_43 = arith.constant dense<0.000000e+00> : vector<1024x128xf32>
    %dot_general3A_44 = tpu.matmul %convert_element_type3A_41, %convert_element_type3A_42, %dot_general3A_43 {dimension_numbers = #tpu.dot_dimension_numbers<[1], [0], [0], [1], [0, 0, 1, 1], [], []>, transpose_lhs_hint = false} : vector<1024x128xbf16>, vector<128x128xbf16>, vector<1024x128xf32> -> vector<1024x128xf32>
    %add3A_45 = vector.broadcast %get3A_6 : vector<1x128xf32> to vector<1024x128xf32>
    %add3A_46 = arith.addf %dot_general3A_44, %add3A_45 : vector<1024x128xf32>
    %max3A_47 = arith.constant 0.000000e+00 : f32
    %max3A_48 = vector.broadcast %max3A_47 : f32 to vector<1024x128xf32>
    %max3A_49 = arith.maximumf %add3A_46, %max3A_48 : vector<1024x128xf32>
    %get3A_50 = arith.constant 0 : index
    %get3A_51 = arith.constant 0 : index
    %get3A_52 = vector.load %arg6[%get3A_50, %get3A_51] : memref<128x8xf32, #tpu.memory_space<vmem>>, vector<128x8xf32>
    %convert_element_type3A_53 = arith.truncf %max3A_49 : vector<1024x128xf32> to vector<1024x128xbf16>
    %convert_element_type3A_54 = arith.truncf %get3A_52 : vector<128x8xf32> to vector<128x8xbf16>
    %dot_general3A_55 = arith.constant dense<0.000000e+00> : vector<1024x8xf32>
    %dot_general3A_56 = tpu.matmul %convert_element_type3A_53, %convert_element_type3A_54, %dot_general3A_55 {dimension_numbers = #tpu.dot_dimension_numbers<[1], [0], [0], [1], [0, 0, 1, 1], [], []>, transpose_lhs_hint = false} : vector<1024x128xbf16>, vector<128x8xbf16>, vector<1024x8xf32> -> vector<1024x8xf32>
    %mul3A_57 = arith.constant 16 : i32
    %mul3A_58 = arith.muli %arg0, %mul3A_57 : i32
    %add3A_59 = arith.constant 2 : i32
    %add3A_60 = arith.addi %mul3A_58, %add3A_59 : i32
    %get3A_61 = arith.index_cast %add3A_60 : i32 to index
    %get3A_62 = arith.constant 0 : index
    %get3A_63 = vector.load %arg3[%get3A_61, %get3A_62] : memref<128x128xf32, #tpu.memory_space<vmem>>, vector<1x128xf32>
    %sub3A_64 = vector.broadcast %get3A_63 : vector<1x128xf32> to vector<1024x128xf32>
    %sub3A_65 = arith.subf %concatenate3A, %sub3A_64 : vector<1024x128xf32>
    %get3A_66 = arith.constant 0 : index
    %get3A_67 = arith.constant 0 : index
    %get3A_68 = vector.load %arg4[%get3A_66, %get3A_67] : memref<128x128xf32, #tpu.memory_space<vmem>>, vector<128x128xf32>
    %convert_element_type3A_69 = arith.truncf %sub3A_65 : vector<1024x128xf32> to vector<1024x128xbf16>
    %convert_element_type3A_70 = arith.truncf %get3A_68 : vector<128x128xf32> to vector<128x128xbf16>
    %dot_general3A_71 = arith.constant dense<0.000000e+00> : vector<1024x128xf32>
    %dot_general3A_72 = tpu.matmul %convert_element_type3A_69, %convert_element_type3A_70, %dot_general3A_71 {dimension_numbers = #tpu.dot_dimension_numbers<[1], [0], [0], [1], [0, 0, 1, 1], [], []>, transpose_lhs_hint = false} : vector<1024x128xbf16>, vector<128x128xbf16>, vector<1024x128xf32> -> vector<1024x128xf32>
    %add3A_73 = vector.broadcast %get3A_6 : vector<1x128xf32> to vector<1024x128xf32>
    %add3A_74 = arith.addf %dot_general3A_72, %add3A_73 : vector<1024x128xf32>
    %max3A_75 = arith.constant 0.000000e+00 : f32
    %max3A_76 = vector.broadcast %max3A_75 : f32 to vector<1024x128xf32>
    %max3A_77 = arith.maximumf %add3A_74, %max3A_76 : vector<1024x128xf32>
    %get3A_78 = arith.constant 0 : index
    %get3A_79 = arith.constant 0 : index
    %get3A_80 = vector.load %arg6[%get3A_78, %get3A_79] : memref<128x8xf32, #tpu.memory_space<vmem>>, vector<128x8xf32>
    %convert_element_type3A_81 = arith.truncf %max3A_77 : vector<1024x128xf32> to vector<1024x128xbf16>
    %convert_element_type3A_82 = arith.truncf %get3A_80 : vector<128x8xf32> to vector<128x8xbf16>
    %dot_general3A_83 = arith.constant dense<0.000000e+00> : vector<1024x8xf32>
    %dot_general3A_84 = tpu.matmul %convert_element_type3A_81, %convert_element_type3A_82, %dot_general3A_83 {dimension_numbers = #tpu.dot_dimension_numbers<[1], [0], [0], [1], [0, 0, 1, 1], [], []>, transpose_lhs_hint = false} : vector<1024x128xbf16>, vector<128x8xbf16>, vector<1024x8xf32> -> vector<1024x8xf32>
    %mul3A_85 = arith.constant 16 : i32
    %mul3A_86 = arith.muli %arg0, %mul3A_85 : i32
    %add3A_87 = arith.constant 3 : i32
    %add3A_88 = arith.addi %mul3A_86, %add3A_87 : i32
    %get3A_89 = arith.index_cast %add3A_88 : i32 to index
    %get3A_90 = arith.constant 0 : index
    %get3A_91 = vector.load %arg3[%get3A_89, %get3A_90] : memref<128x128xf32, #tpu.memory_space<vmem>>, vector<1x128xf32>
    %sub3A_92 = vector.broadcast %get3A_91 : vector<1x128xf32> to vector<1024x128xf32>
    %sub3A_93 = arith.subf %concatenate3A, %sub3A_92 : vector<1024x128xf32>
    %get3A_94 = arith.constant 0 : index
    %get3A_95 = arith.constant 0 : index
    %get3A_96 = vector.load %arg4[%get3A_94, %get3A_95] : memref<128x128xf32, #tpu.memory_space<vmem>>, vector<128x128xf32>
    %convert_element_type3A_97 = arith.truncf %sub3A_93 : vector<1024x128xf32> to vector<1024x128xbf16>
    %convert_element_type3A_98 = arith.truncf %get3A_96 : vector<128x128xf32> to vector<128x128xbf16>
    %dot_general3A_99 = arith.constant dense<0.000000e+00> : vector<1024x128xf32>
    %dot_general3A_100 = tpu.matmul %convert_element_type3A_97, %convert_element_type3A_98, %dot_general3A_99 {dimension_numbers = #tpu.dot_dimension_numbers<[1], [0], [0], [1], [0, 0, 1, 1], [], []>, transpose_lhs_hint = false} : vector<1024x128xbf16>, vector<128x128xbf16>, vector<1024x128xf32> -> vector<1024x128xf32>
    %add3A_101 = vector.broadcast %get3A_6 : vector<1x128xf32> to vector<1024x128xf32>
    %add3A_102 = arith.addf %dot_general3A_100, %add3A_101 : vector<1024x128xf32>
    %max3A_103 = arith.constant 0.000000e+00 : f32
    %max3A_104 = vector.broadcast %max3A_103 : f32 to vector<1024x128xf32>
    %max3A_105 = arith.maximumf %add3A_102, %max3A_104 : vector<1024x128xf32>
    %get3A_106 = arith.constant 0 : index
    %get3A_107 = arith.constant 0 : index
    %get3A_108 = vector.load %arg6[%get3A_106, %get3A_107] : memref<128x8xf32, #tpu.memory_space<vmem>>, vector<128x8xf32>
    %convert_element_type3A_109 = arith.truncf %max3A_105 : vector<1024x128xf32> to vector<1024x128xbf16>
    %convert_element_type3A_110 = arith.truncf %get3A_108 : vector<128x8xf32> to vector<128x8xbf16>
    %dot_general3A_111 = arith.constant dense<0.000000e+00> : vector<1024x8xf32>
    %dot_general3A_112 = tpu.matmul %convert_element_type3A_109, %convert_element_type3A_110, %dot_general3A_111 {dimension_numbers = #tpu.dot_dimension_numbers<[1], [0], [0], [1], [0, 0, 1, 1], [], []>, transpose_lhs_hint = false} : vector<1024x128xbf16>, vector<128x8xbf16>, vector<1024x8xf32> -> vector<1024x8xf32>
    %mul3A_113 = arith.constant 16 : i32
    %mul3A_114 = arith.muli %arg0, %mul3A_113 : i32
    %add3A_115 = arith.constant 4 : i32
    %add3A_116 = arith.addi %mul3A_114, %add3A_115 : i32
    %get3A_117 = arith.index_cast %add3A_116 : i32 to index
    %get3A_118 = arith.constant 0 : index
    %get3A_119 = vector.load %arg3[%get3A_117, %get3A_118] : memref<128x128xf32, #tpu.memory_space<vmem>>, vector<1x128xf32>
    %sub3A_120 = vector.broadcast %get3A_119 : vector<1x128xf32> to vector<1024x128xf32>
    %sub3A_121 = arith.subf %concatenate3A, %sub3A_120 : vector<1024x128xf32>
    %get3A_122 = arith.constant 0 : index
    %get3A_123 = arith.constant 0 : index
    %get3A_124 = vector.load %arg4[%get3A_122, %get3A_123] : memref<128x128xf32, #tpu.memory_space<vmem>>, vector<128x128xf32>
    %convert_element_type3A_125 = arith.truncf %sub3A_121 : vector<1024x128xf32> to vector<1024x128xbf16>
    %convert_element_type3A_126 = arith.truncf %get3A_124 : vector<128x128xf32> to vector<128x128xbf16>
    %dot_general3A_127 = arith.constant dense<0.000000e+00> : vector<1024x128xf32>
    %dot_general3A_128 = tpu.matmul %convert_element_type3A_125, %convert_element_type3A_126, %dot_general3A_127 {dimension_numbers = #tpu.dot_dimension_numbers<[1], [0], [0], [1], [0, 0, 1, 1], [], []>, transpose_lhs_hint = false} : vector<1024x128xbf16>, vector<128x128xbf16>, vector<1024x128xf32> -> vector<1024x128xf32>
    %add3A_129 = vector.broadcast %get3A_6 : vector<1x128xf32> to vector<1024x128xf32>
    %add3A_130 = arith.addf %dot_general3A_128, %add3A_129 : vector<1024x128xf32>
    %max3A_131 = arith.constant 0.000000e+00 : f32
    %max3A_132 = vector.broadcast %max3A_131 : f32 to vector<1024x128xf32>
    %max3A_133 = arith.maximumf %add3A_130, %max3A_132 : vector<1024x128xf32>
    %get3A_134 = arith.constant 0 : index
    %get3A_135 = arith.constant 0 : index
    %get3A_136 = vector.load %arg6[%get3A_134, %get3A_135] : memref<128x8xf32, #tpu.memory_space<vmem>>, vector<128x8xf32>
    %convert_element_type3A_137 = arith.truncf %max3A_133 : vector<1024x128xf32> to vector<1024x128xbf16>
    %convert_element_type3A_138 = arith.truncf %get3A_136 : vector<128x8xf32> to vector<128x8xbf16>
    %dot_general3A_139 = arith.constant dense<0.000000e+00> : vector<1024x8xf32>
    %dot_general3A_140 = tpu.matmul %convert_element_type3A_137, %convert_element_type3A_138, %dot_general3A_139 {dimension_numbers = #tpu.dot_dimension_numbers<[1], [0], [0], [1], [0, 0, 1, 1], [], []>, transpose_lhs_hint = false} : vector<1024x128xbf16>, vector<128x8xbf16>, vector<1024x8xf32> -> vector<1024x8xf32>
    %mul3A_141 = arith.constant 16 : i32
    %mul3A_142 = arith.muli %arg0, %mul3A_141 : i32
    %add3A_143 = arith.constant 5 : i32
    %add3A_144 = arith.addi %mul3A_142, %add3A_143 : i32
    %get3A_145 = arith.index_cast %add3A_144 : i32 to index
    %get3A_146 = arith.constant 0 : index
    %get3A_147 = vector.load %arg3[%get3A_145, %get3A_146] : memref<128x128xf32, #tpu.memory_space<vmem>>, vector<1x128xf32>
    %sub3A_148 = vector.broadcast %get3A_147 : vector<1x128xf32> to vector<1024x128xf32>
    %sub3A_149 = arith.subf %concatenate3A, %sub3A_148 : vector<1024x128xf32>
    %get3A_150 = arith.constant 0 : index
    %get3A_151 = arith.constant 0 : index
    %get3A_152 = vector.load %arg4[%get3A_150, %get3A_151] : memref<128x128xf32, #tpu.memory_space<vmem>>, vector<128x128xf32>
    %convert_element_type3A_153 = arith.truncf %sub3A_149 : vector<1024x128xf32> to vector<1024x128xbf16>
    %convert_element_type3A_154 = arith.truncf %get3A_152 : vector<128x128xf32> to vector<128x128xbf16>
    %dot_general3A_155 = arith.constant dense<0.000000e+00> : vector<1024x128xf32>
    %dot_general3A_156 = tpu.matmul %convert_element_type3A_153, %convert_element_type3A_154, %dot_general3A_155 {dimension_numbers = #tpu.dot_dimension_numbers<[1], [0], [0], [1], [0, 0, 1, 1], [], []>, transpose_lhs_hint = false} : vector<1024x128xbf16>, vector<128x128xbf16>, vector<1024x128xf32> -> vector<1024x128xf32>
    %add3A_157 = vector.broadcast %get3A_6 : vector<1x128xf32> to vector<1024x128xf32>
    %add3A_158 = arith.addf %dot_general3A_156, %add3A_157 : vector<1024x128xf32>
    %max3A_159 = arith.constant 0.000000e+00 : f32
    %max3A_160 = vector.broadcast %max3A_159 : f32 to vector<1024x128xf32>
    %max3A_161 = arith.maximumf %add3A_158, %max3A_160 : vector<1024x128xf32>
    %get3A_162 = arith.constant 0 : index
    %get3A_163 = arith.constant 0 : index
    %get3A_164 = vector.load %arg6[%get3A_162, %get3A_163] : memref<128x8xf32, #tpu.memory_space<vmem>>, vector<128x8xf32>
    %convert_element_type3A_165 = arith.truncf %max3A_161 : vector<1024x128xf32> to vector<1024x128xbf16>
    %convert_element_type3A_166 = arith.truncf %get3A_164 : vector<128x8xf32> to vector<128x8xbf16>
    %dot_general3A_167 = arith.constant dense<0.000000e+00> : vector<1024x8xf32>
    %dot_general3A_168 = tpu.matmul %convert_element_type3A_165, %convert_element_type3A_166, %dot_general3A_167 {dimension_numbers = #tpu.dot_dimension_numbers<[1], [0], [0], [1], [0, 0, 1, 1], [], []>, transpose_lhs_hint = false} : vector<1024x128xbf16>, vector<128x8xbf16>, vector<1024x8xf32> -> vector<1024x8xf32>
    %mul3A_169 = arith.constant 16 : i32
    %mul3A_170 = arith.muli %arg0, %mul3A_169 : i32
    %add3A_171 = arith.constant 6 : i32
    %add3A_172 = arith.addi %mul3A_170, %add3A_171 : i32
    %get3A_173 = arith.index_cast %add3A_172 : i32 to index
    %get3A_174 = arith.constant 0 : index
    %get3A_175 = vector.load %arg3[%get3A_173, %get3A_174] : memref<128x128xf32, #tpu.memory_space<vmem>>, vector<1x128xf32>
    %sub3A_176 = vector.broadcast %get3A_175 : vector<1x128xf32> to vector<1024x128xf32>
    %sub3A_177 = arith.subf %concatenate3A, %sub3A_176 : vector<1024x128xf32>
    %get3A_178 = arith.constant 0 : index
    %get3A_179 = arith.constant 0 : index
    %get3A_180 = vector.load %arg4[%get3A_178, %get3A_179] : memref<128x128xf32, #tpu.memory_space<vmem>>, vector<128x128xf32>
    %convert_element_type3A_181 = arith.truncf %sub3A_177 : vector<1024x128xf32> to vector<1024x128xbf16>
    %convert_element_type3A_182 = arith.truncf %get3A_180 : vector<128x128xf32> to vector<128x128xbf16>
    %dot_general3A_183 = arith.constant dense<0.000000e+00> : vector<1024x128xf32>
    %dot_general3A_184 = tpu.matmul %convert_element_type3A_181, %convert_element_type3A_182, %dot_general3A_183 {dimension_numbers = #tpu.dot_dimension_numbers<[1], [0], [0], [1], [0, 0, 1, 1], [], []>, transpose_lhs_hint = false} : vector<1024x128xbf16>, vector<128x128xbf16>, vector<1024x128xf32> -> vector<1024x128xf32>
    %add3A_185 = vector.broadcast %get3A_6 : vector<1x128xf32> to vector<1024x128xf32>
    %add3A_186 = arith.addf %dot_general3A_184, %add3A_185 : vector<1024x128xf32>
    %max3A_187 = arith.constant 0.000000e+00 : f32
    %max3A_188 = vector.broadcast %max3A_187 : f32 to vector<1024x128xf32>
    %max3A_189 = arith.maximumf %add3A_186, %max3A_188 : vector<1024x128xf32>
    %get3A_190 = arith.constant 0 : index
    %get3A_191 = arith.constant 0 : index
    %get3A_192 = vector.load %arg6[%get3A_190, %get3A_191] : memref<128x8xf32, #tpu.memory_space<vmem>>, vector<128x8xf32>
    %convert_element_type3A_193 = arith.truncf %max3A_189 : vector<1024x128xf32> to vector<1024x128xbf16>
    %convert_element_type3A_194 = arith.truncf %get3A_192 : vector<128x8xf32> to vector<128x8xbf16>
    %dot_general3A_195 = arith.constant dense<0.000000e+00> : vector<1024x8xf32>
    %dot_general3A_196 = tpu.matmul %convert_element_type3A_193, %convert_element_type3A_194, %dot_general3A_195 {dimension_numbers = #tpu.dot_dimension_numbers<[1], [0], [0], [1], [0, 0, 1, 1], [], []>, transpose_lhs_hint = false} : vector<1024x128xbf16>, vector<128x8xbf16>, vector<1024x8xf32> -> vector<1024x8xf32>
    %mul3A_197 = arith.constant 16 : i32
    %mul3A_198 = arith.muli %arg0, %mul3A_197 : i32
    %add3A_199 = arith.constant 7 : i32
    %add3A_200 = arith.addi %mul3A_198, %add3A_199 : i32
    %get3A_201 = arith.index_cast %add3A_200 : i32 to index
    %get3A_202 = arith.constant 0 : index
    %get3A_203 = vector.load %arg3[%get3A_201, %get3A_202] : memref<128x128xf32, #tpu.memory_space<vmem>>, vector<1x128xf32>
    %sub3A_204 = vector.broadcast %get3A_203 : vector<1x128xf32> to vector<1024x128xf32>
    %sub3A_205 = arith.subf %concatenate3A, %sub3A_204 : vector<1024x128xf32>
    %get3A_206 = arith.constant 0 : index
    %get3A_207 = arith.constant 0 : index
    %get3A_208 = vector.load %arg4[%get3A_206, %get3A_207] : memref<128x128xf32, #tpu.memory_space<vmem>>, vector<128x128xf32>
    %convert_element_type3A_209 = arith.truncf %sub3A_205 : vector<1024x128xf32> to vector<1024x128xbf16>
    %convert_element_type3A_210 = arith.truncf %get3A_208 : vector<128x128xf32> to vector<128x128xbf16>
    %dot_general3A_211 = arith.constant dense<0.000000e+00> : vector<1024x128xf32>
    %dot_general3A_212 = tpu.matmul %convert_element_type3A_209, %convert_element_type3A_210, %dot_general3A_211 {dimension_numbers = #tpu.dot_dimension_numbers<[1], [0], [0], [1], [0, 0, 1, 1], [], []>, transpose_lhs_hint = false} : vector<1024x128xbf16>, vector<128x128xbf16>, vector<1024x128xf32> -> vector<1024x128xf32>
    %add3A_213 = vector.broadcast %get3A_6 : vector<1x128xf32> to vector<1024x128xf32>
    %add3A_214 = arith.addf %dot_general3A_212, %add3A_213 : vector<1024x128xf32>
    %max3A_215 = arith.constant 0.000000e+00 : f32
    %max3A_216 = vector.broadcast %max3A_215 : f32 to vector<1024x128xf32>
    %max3A_217 = arith.maximumf %add3A_214, %max3A_216 : vector<1024x128xf32>
    %get3A_218 = arith.constant 0 : index
    %get3A_219 = arith.constant 0 : index
    %get3A_220 = vector.load %arg6[%get3A_218, %get3A_219] : memref<128x8xf32, #tpu.memory_space<vmem>>, vector<128x8xf32>
    %convert_element_type3A_221 = arith.truncf %max3A_217 : vector<1024x128xf32> to vector<1024x128xbf16>
    %convert_element_type3A_222 = arith.truncf %get3A_220 : vector<128x8xf32> to vector<128x8xbf16>
    %dot_general3A_223 = arith.constant dense<0.000000e+00> : vector<1024x8xf32>
    %dot_general3A_224 = tpu.matmul %convert_element_type3A_221, %convert_element_type3A_222, %dot_general3A_223 {dimension_numbers = #tpu.dot_dimension_numbers<[1], [0], [0], [1], [0, 0, 1, 1], [], []>, transpose_lhs_hint = false} : vector<1024x128xbf16>, vector<128x8xbf16>, vector<1024x8xf32> -> vector<1024x8xf32>
    %mul3A_225 = arith.constant 16 : i32
    %mul3A_226 = arith.muli %arg0, %mul3A_225 : i32
    %add3A_227 = arith.constant 8 : i32
    %add3A_228 = arith.addi %mul3A_226, %add3A_227 : i32
    %get3A_229 = arith.index_cast %add3A_228 : i32 to index
    %get3A_230 = arith.constant 0 : index
    %get3A_231 = vector.load %arg3[%get3A_229, %get3A_230] : memref<128x128xf32, #tpu.memory_space<vmem>>, vector<1x128xf32>
    %sub3A_232 = vector.broadcast %get3A_231 : vector<1x128xf32> to vector<1024x128xf32>
    %sub3A_233 = arith.subf %concatenate3A, %sub3A_232 : vector<1024x128xf32>
    %get3A_234 = arith.constant 0 : index
    %get3A_235 = arith.constant 0 : index
    %get3A_236 = vector.load %arg4[%get3A_234, %get3A_235] : memref<128x128xf32, #tpu.memory_space<vmem>>, vector<128x128xf32>
    %convert_element_type3A_237 = arith.truncf %sub3A_233 : vector<1024x128xf32> to vector<1024x128xbf16>
    %convert_element_type3A_238 = arith.truncf %get3A_236 : vector<128x128xf32> to vector<128x128xbf16>
    %dot_general3A_239 = arith.constant dense<0.000000e+00> : vector<1024x128xf32>
    %dot_general3A_240 = tpu.matmul %convert_element_type3A_237, %convert_element_type3A_238, %dot_general3A_239 {dimension_numbers = #tpu.dot_dimension_numbers<[1], [0], [0], [1], [0, 0, 1, 1], [], []>, transpose_lhs_hint = false} : vector<1024x128xbf16>, vector<128x128xbf16>, vector<1024x128xf32> -> vector<1024x128xf32>
    %add3A_241 = vector.broadcast %get3A_6 : vector<1x128xf32> to vector<1024x128xf32>
    %add3A_242 = arith.addf %dot_general3A_240, %add3A_241 : vector<1024x128xf32>
    %max3A_243 = arith.constant 0.000000e+00 : f32
    %max3A_244 = vector.broadcast %max3A_243 : f32 to vector<1024x128xf32>
    %max3A_245 = arith.maximumf %add3A_242, %max3A_244 : vector<1024x128xf32>
    %get3A_246 = arith.constant 0 : index
    %get3A_247 = arith.constant 0 : index
    %get3A_248 = vector.load %arg6[%get3A_246, %get3A_247] : memref<128x8xf32, #tpu.memory_space<vmem>>, vector<128x8xf32>
    %convert_element_type3A_249 = arith.truncf %max3A_245 : vector<1024x128xf32> to vector<1024x128xbf16>
    %convert_element_type3A_250 = arith.truncf %get3A_248 : vector<128x8xf32> to vector<128x8xbf16>
    %dot_general3A_251 = arith.constant dense<0.000000e+00> : vector<1024x8xf32>
    %dot_general3A_252 = tpu.matmul %convert_element_type3A_249, %convert_element_type3A_250, %dot_general3A_251 {dimension_numbers = #tpu.dot_dimension_numbers<[1], [0], [0], [1], [0, 0, 1, 1], [], []>, transpose_lhs_hint = false} : vector<1024x128xbf16>, vector<128x8xbf16>, vector<1024x8xf32> -> vector<1024x8xf32>
    %mul3A_253 = arith.constant 16 : i32
    %mul3A_254 = arith.muli %arg0, %mul3A_253 : i32
    %add3A_255 = arith.constant 9 : i32
    %add3A_256 = arith.addi %mul3A_254, %add3A_255 : i32
    %get3A_257 = arith.index_cast %add3A_256 : i32 to index
    %get3A_258 = arith.constant 0 : index
    %get3A_259 = vector.load %arg3[%get3A_257, %get3A_258] : memref<128x128xf32, #tpu.memory_space<vmem>>, vector<1x128xf32>
    %sub3A_260 = vector.broadcast %get3A_259 : vector<1x128xf32> to vector<1024x128xf32>
    %sub3A_261 = arith.subf %concatenate3A, %sub3A_260 : vector<1024x128xf32>
    %get3A_262 = arith.constant 0 : index
    %get3A_263 = arith.constant 0 : index
    %get3A_264 = vector.load %arg4[%get3A_262, %get3A_263] : memref<128x128xf32, #tpu.memory_space<vmem>>, vector<128x128xf32>
    %convert_element_type3A_265 = arith.truncf %sub3A_261 : vector<1024x128xf32> to vector<1024x128xbf16>
    %convert_element_type3A_266 = arith.truncf %get3A_264 : vector<128x128xf32> to vector<128x128xbf16>
    %dot_general3A_267 = arith.constant dense<0.000000e+00> : vector<1024x128xf32>
    %dot_general3A_268 = tpu.matmul %convert_element_type3A_265, %convert_element_type3A_266, %dot_general3A_267 {dimension_numbers = #tpu.dot_dimension_numbers<[1], [0], [0], [1], [0, 0, 1, 1], [], []>, transpose_lhs_hint = false} : vector<1024x128xbf16>, vector<128x128xbf16>, vector<1024x128xf32> -> vector<1024x128xf32>
    %add3A_269 = vector.broadcast %get3A_6 : vector<1x128xf32> to vector<1024x128xf32>
    %add3A_270 = arith.addf %dot_general3A_268, %add3A_269 : vector<1024x128xf32>
    %max3A_271 = arith.constant 0.000000e+00 : f32
    %max3A_272 = vector.broadcast %max3A_271 : f32 to vector<1024x128xf32>
    %max3A_273 = arith.maximumf %add3A_270, %max3A_272 : vector<1024x128xf32>
    %get3A_274 = arith.constant 0 : index
    %get3A_275 = arith.constant 0 : index
    %get3A_276 = vector.load %arg6[%get3A_274, %get3A_275] : memref<128x8xf32, #tpu.memory_space<vmem>>, vector<128x8xf32>
    %convert_element_type3A_277 = arith.truncf %max3A_273 : vector<1024x128xf32> to vector<1024x128xbf16>
    %convert_element_type3A_278 = arith.truncf %get3A_276 : vector<128x8xf32> to vector<128x8xbf16>
    %dot_general3A_279 = arith.constant dense<0.000000e+00> : vector<1024x8xf32>
    %dot_general3A_280 = tpu.matmul %convert_element_type3A_277, %convert_element_type3A_278, %dot_general3A_279 {dimension_numbers = #tpu.dot_dimension_numbers<[1], [0], [0], [1], [0, 0, 1, 1], [], []>, transpose_lhs_hint = false} : vector<1024x128xbf16>, vector<128x8xbf16>, vector<1024x8xf32> -> vector<1024x8xf32>
    %mul3A_281 = arith.constant 16 : i32
    %mul3A_282 = arith.muli %arg0, %mul3A_281 : i32
    %add3A_283 = arith.constant 10 : i32
    %add3A_284 = arith.addi %mul3A_282, %add3A_283 : i32
    %get3A_285 = arith.index_cast %add3A_284 : i32 to index
    %get3A_286 = arith.constant 0 : index
    %get3A_287 = vector.load %arg3[%get3A_285, %get3A_286] : memref<128x128xf32, #tpu.memory_space<vmem>>, vector<1x128xf32>
    %sub3A_288 = vector.broadcast %get3A_287 : vector<1x128xf32> to vector<1024x128xf32>
    %sub3A_289 = arith.subf %concatenate3A, %sub3A_288 : vector<1024x128xf32>
    %get3A_290 = arith.constant 0 : index
    %get3A_291 = arith.constant 0 : index
    %get3A_292 = vector.load %arg4[%get3A_290, %get3A_291] : memref<128x128xf32, #tpu.memory_space<vmem>>, vector<128x128xf32>
    %convert_element_type3A_293 = arith.truncf %sub3A_289 : vector<1024x128xf32> to vector<1024x128xbf16>
    %convert_element_type3A_294 = arith.truncf %get3A_292 : vector<128x128xf32> to vector<128x128xbf16>
    %dot_general3A_295 = arith.constant dense<0.000000e+00> : vector<1024x128xf32>
    %dot_general3A_296 = tpu.matmul %convert_element_type3A_293, %convert_element_type3A_294, %dot_general3A_295 {dimension_numbers = #tpu.dot_dimension_numbers<[1], [0], [0], [1], [0, 0, 1, 1], [], []>, transpose_lhs_hint = false} : vector<1024x128xbf16>, vector<128x128xbf16>, vector<1024x128xf32> -> vector<1024x128xf32>
    %add3A_297 = vector.broadcast %get3A_6 : vector<1x128xf32> to vector<1024x128xf32>
    %add3A_298 = arith.addf %dot_general3A_296, %add3A_297 : vector<1024x128xf32>
    %max3A_299 = arith.constant 0.000000e+00 : f32
    %max3A_300 = vector.broadcast %max3A_299 : f32 to vector<1024x128xf32>
    %max3A_301 = arith.maximumf %add3A_298, %max3A_300 : vector<1024x128xf32>
    %get3A_302 = arith.constant 0 : index
    %get3A_303 = arith.constant 0 : index
    %get3A_304 = vector.load %arg6[%get3A_302, %get3A_303] : memref<128x8xf32, #tpu.memory_space<vmem>>, vector<128x8xf32>
    %convert_element_type3A_305 = arith.truncf %max3A_301 : vector<1024x128xf32> to vector<1024x128xbf16>
    %convert_element_type3A_306 = arith.truncf %get3A_304 : vector<128x8xf32> to vector<128x8xbf16>
    %dot_general3A_307 = arith.constant dense<0.000000e+00> : vector<1024x8xf32>
    %dot_general3A_308 = tpu.matmul %convert_element_type3A_305, %convert_element_type3A_306, %dot_general3A_307 {dimension_numbers = #tpu.dot_dimension_numbers<[1], [0], [0], [1], [0, 0, 1, 1], [], []>, transpose_lhs_hint = false} : vector<1024x128xbf16>, vector<128x8xbf16>, vector<1024x8xf32> -> vector<1024x8xf32>
    %mul3A_309 = arith.constant 16 : i32
    %mul3A_310 = arith.muli %arg0, %mul3A_309 : i32
    %add3A_311 = arith.constant 11 : i32
    %add3A_312 = arith.addi %mul3A_310, %add3A_311 : i32
    %get3A_313 = arith.index_cast %add3A_312 : i32 to index
    %get3A_314 = arith.constant 0 : index
    %get3A_315 = vector.load %arg3[%get3A_313, %get3A_314] : memref<128x128xf32, #tpu.memory_space<vmem>>, vector<1x128xf32>
    %sub3A_316 = vector.broadcast %get3A_315 : vector<1x128xf32> to vector<1024x128xf32>
    %sub3A_317 = arith.subf %concatenate3A, %sub3A_316 : vector<1024x128xf32>
    %get3A_318 = arith.constant 0 : index
    %get3A_319 = arith.constant 0 : index
    %get3A_320 = vector.load %arg4[%get3A_318, %get3A_319] : memref<128x128xf32, #tpu.memory_space<vmem>>, vector<128x128xf32>
    %convert_element_type3A_321 = arith.truncf %sub3A_317 : vector<1024x128xf32> to vector<1024x128xbf16>
    %convert_element_type3A_322 = arith.truncf %get3A_320 : vector<128x128xf32> to vector<128x128xbf16>
    %dot_general3A_323 = arith.constant dense<0.000000e+00> : vector<1024x128xf32>
    %dot_general3A_324 = tpu.matmul %convert_element_type3A_321, %convert_element_type3A_322, %dot_general3A_323 {dimension_numbers = #tpu.dot_dimension_numbers<[1], [0], [0], [1], [0, 0, 1, 1], [], []>, transpose_lhs_hint = false} : vector<1024x128xbf16>, vector<128x128xbf16>, vector<1024x128xf32> -> vector<1024x128xf32>
    %add3A_325 = vector.broadcast %get3A_6 : vector<1x128xf32> to vector<1024x128xf32>
    %add3A_326 = arith.addf %dot_general3A_324, %add3A_325 : vector<1024x128xf32>
    %max3A_327 = arith.constant 0.000000e+00 : f32
    %max3A_328 = vector.broadcast %max3A_327 : f32 to vector<1024x128xf32>
    %max3A_329 = arith.maximumf %add3A_326, %max3A_328 : vector<1024x128xf32>
    %get3A_330 = arith.constant 0 : index
    %get3A_331 = arith.constant 0 : index
    %get3A_332 = vector.load %arg6[%get3A_330, %get3A_331] : memref<128x8xf32, #tpu.memory_space<vmem>>, vector<128x8xf32>
    %convert_element_type3A_333 = arith.truncf %max3A_329 : vector<1024x128xf32> to vector<1024x128xbf16>
    %convert_element_type3A_334 = arith.truncf %get3A_332 : vector<128x8xf32> to vector<128x8xbf16>
    %dot_general3A_335 = arith.constant dense<0.000000e+00> : vector<1024x8xf32>
    %dot_general3A_336 = tpu.matmul %convert_element_type3A_333, %convert_element_type3A_334, %dot_general3A_335 {dimension_numbers = #tpu.dot_dimension_numbers<[1], [0], [0], [1], [0, 0, 1, 1], [], []>, transpose_lhs_hint = false} : vector<1024x128xbf16>, vector<128x8xbf16>, vector<1024x8xf32> -> vector<1024x8xf32>
    %mul3A_337 = arith.constant 16 : i32
    %mul3A_338 = arith.muli %arg0, %mul3A_337 : i32
    %add3A_339 = arith.constant 12 : i32
    %add3A_340 = arith.addi %mul3A_338, %add3A_339 : i32
    %get3A_341 = arith.index_cast %add3A_340 : i32 to index
    %get3A_342 = arith.constant 0 : index
    %get3A_343 = vector.load %arg3[%get3A_341, %get3A_342] : memref<128x128xf32, #tpu.memory_space<vmem>>, vector<1x128xf32>
    %sub3A_344 = vector.broadcast %get3A_343 : vector<1x128xf32> to vector<1024x128xf32>
    %sub3A_345 = arith.subf %concatenate3A, %sub3A_344 : vector<1024x128xf32>
    %get3A_346 = arith.constant 0 : index
    %get3A_347 = arith.constant 0 : index
    %get3A_348 = vector.load %arg4[%get3A_346, %get3A_347] : memref<128x128xf32, #tpu.memory_space<vmem>>, vector<128x128xf32>
    %convert_element_type3A_349 = arith.truncf %sub3A_345 : vector<1024x128xf32> to vector<1024x128xbf16>
    %convert_element_type3A_350 = arith.truncf %get3A_348 : vector<128x128xf32> to vector<128x128xbf16>
    %dot_general3A_351 = arith.constant dense<0.000000e+00> : vector<1024x128xf32>
    %dot_general3A_352 = tpu.matmul %convert_element_type3A_349, %convert_element_type3A_350, %dot_general3A_351 {dimension_numbers = #tpu.dot_dimension_numbers<[1], [0], [0], [1], [0, 0, 1, 1], [], []>, transpose_lhs_hint = false} : vector<1024x128xbf16>, vector<128x128xbf16>, vector<1024x128xf32> -> vector<1024x128xf32>
    %add3A_353 = vector.broadcast %get3A_6 : vector<1x128xf32> to vector<1024x128xf32>
    %add3A_354 = arith.addf %dot_general3A_352, %add3A_353 : vector<1024x128xf32>
    %max3A_355 = arith.constant 0.000000e+00 : f32
    %max3A_356 = vector.broadcast %max3A_355 : f32 to vector<1024x128xf32>
    %max3A_357 = arith.maximumf %add3A_354, %max3A_356 : vector<1024x128xf32>
    %get3A_358 = arith.constant 0 : index
    %get3A_359 = arith.constant 0 : index
    %get3A_360 = vector.load %arg6[%get3A_358, %get3A_359] : memref<128x8xf32, #tpu.memory_space<vmem>>, vector<128x8xf32>
    %convert_element_type3A_361 = arith.truncf %max3A_357 : vector<1024x128xf32> to vector<1024x128xbf16>
    %convert_element_type3A_362 = arith.truncf %get3A_360 : vector<128x8xf32> to vector<128x8xbf16>
    %dot_general3A_363 = arith.constant dense<0.000000e+00> : vector<1024x8xf32>
    %dot_general3A_364 = tpu.matmul %convert_element_type3A_361, %convert_element_type3A_362, %dot_general3A_363 {dimension_numbers = #tpu.dot_dimension_numbers<[1], [0], [0], [1], [0, 0, 1, 1], [], []>, transpose_lhs_hint = false} : vector<1024x128xbf16>, vector<128x8xbf16>, vector<1024x8xf32> -> vector<1024x8xf32>
    %mul3A_365 = arith.constant 16 : i32
    %mul3A_366 = arith.muli %arg0, %mul3A_365 : i32
    %add3A_367 = arith.constant 13 : i32
    %add3A_368 = arith.addi %mul3A_366, %add3A_367 : i32
    %get3A_369 = arith.index_cast %add3A_368 : i32 to index
    %get3A_370 = arith.constant 0 : index
    %get3A_371 = vector.load %arg3[%get3A_369, %get3A_370] : memref<128x128xf32, #tpu.memory_space<vmem>>, vector<1x128xf32>
    %sub3A_372 = vector.broadcast %get3A_371 : vector<1x128xf32> to vector<1024x128xf32>
    %sub3A_373 = arith.subf %concatenate3A, %sub3A_372 : vector<1024x128xf32>
    %get3A_374 = arith.constant 0 : index
    %get3A_375 = arith.constant 0 : index
    %get3A_376 = vector.load %arg4[%get3A_374, %get3A_375] : memref<128x128xf32, #tpu.memory_space<vmem>>, vector<128x128xf32>
    %convert_element_type3A_377 = arith.truncf %sub3A_373 : vector<1024x128xf32> to vector<1024x128xbf16>
    %convert_element_type3A_378 = arith.truncf %get3A_376 : vector<128x128xf32> to vector<128x128xbf16>
    %dot_general3A_379 = arith.constant dense<0.000000e+00> : vector<1024x128xf32>
    %dot_general3A_380 = tpu.matmul %convert_element_type3A_377, %convert_element_type3A_378, %dot_general3A_379 {dimension_numbers = #tpu.dot_dimension_numbers<[1], [0], [0], [1], [0, 0, 1, 1], [], []>, transpose_lhs_hint = false} : vector<1024x128xbf16>, vector<128x128xbf16>, vector<1024x128xf32> -> vector<1024x128xf32>
    %add3A_381 = vector.broadcast %get3A_6 : vector<1x128xf32> to vector<1024x128xf32>
    %add3A_382 = arith.addf %dot_general3A_380, %add3A_381 : vector<1024x128xf32>
    %max3A_383 = arith.constant 0.000000e+00 : f32
    %max3A_384 = vector.broadcast %max3A_383 : f32 to vector<1024x128xf32>
    %max3A_385 = arith.maximumf %add3A_382, %max3A_384 : vector<1024x128xf32>
    %get3A_386 = arith.constant 0 : index
    %get3A_387 = arith.constant 0 : index
    %get3A_388 = vector.load %arg6[%get3A_386, %get3A_387] : memref<128x8xf32, #tpu.memory_space<vmem>>, vector<128x8xf32>
    %convert_element_type3A_389 = arith.truncf %max3A_385 : vector<1024x128xf32> to vector<1024x128xbf16>
    %convert_element_type3A_390 = arith.truncf %get3A_388 : vector<128x8xf32> to vector<128x8xbf16>
    %dot_general3A_391 = arith.constant dense<0.000000e+00> : vector<1024x8xf32>
    %dot_general3A_392 = tpu.matmul %convert_element_type3A_389, %convert_element_type3A_390, %dot_general3A_391 {dimension_numbers = #tpu.dot_dimension_numbers<[1], [0], [0], [1], [0, 0, 1, 1], [], []>, transpose_lhs_hint = false} : vector<1024x128xbf16>, vector<128x8xbf16>, vector<1024x8xf32> -> vector<1024x8xf32>
    %mul3A_393 = arith.constant 16 : i32
    %mul3A_394 = arith.muli %arg0, %mul3A_393 : i32
    %add3A_395 = arith.constant 14 : i32
    %add3A_396 = arith.addi %mul3A_394, %add3A_395 : i32
    %get3A_397 = arith.index_cast %add3A_396 : i32 to index
    %get3A_398 = arith.constant 0 : index
    %get3A_399 = vector.load %arg3[%get3A_397, %get3A_398] : memref<128x128xf32, #tpu.memory_space<vmem>>, vector<1x128xf32>
    %sub3A_400 = vector.broadcast %get3A_399 : vector<1x128xf32> to vector<1024x128xf32>
    %sub3A_401 = arith.subf %concatenate3A, %sub3A_400 : vector<1024x128xf32>
    %get3A_402 = arith.constant 0 : index
    %get3A_403 = arith.constant 0 : index
    %get3A_404 = vector.load %arg4[%get3A_402, %get3A_403] : memref<128x128xf32, #tpu.memory_space<vmem>>, vector<128x128xf32>
    %convert_element_type3A_405 = arith.truncf %sub3A_401 : vector<1024x128xf32> to vector<1024x128xbf16>
    %convert_element_type3A_406 = arith.truncf %get3A_404 : vector<128x128xf32> to vector<128x128xbf16>
    %dot_general3A_407 = arith.constant dense<0.000000e+00> : vector<1024x128xf32>
    %dot_general3A_408 = tpu.matmul %convert_element_type3A_405, %convert_element_type3A_406, %dot_general3A_407 {dimension_numbers = #tpu.dot_dimension_numbers<[1], [0], [0], [1], [0, 0, 1, 1], [], []>, transpose_lhs_hint = false} : vector<1024x128xbf16>, vector<128x128xbf16>, vector<1024x128xf32> -> vector<1024x128xf32>
    %add3A_409 = vector.broadcast %get3A_6 : vector<1x128xf32> to vector<1024x128xf32>
    %add3A_410 = arith.addf %dot_general3A_408, %add3A_409 : vector<1024x128xf32>
    %max3A_411 = arith.constant 0.000000e+00 : f32
    %max3A_412 = vector.broadcast %max3A_411 : f32 to vector<1024x128xf32>
    %max3A_413 = arith.maximumf %add3A_410, %max3A_412 : vector<1024x128xf32>
    %get3A_414 = arith.constant 0 : index
    %get3A_415 = arith.constant 0 : index
    %get3A_416 = vector.load %arg6[%get3A_414, %get3A_415] : memref<128x8xf32, #tpu.memory_space<vmem>>, vector<128x8xf32>
    %convert_element_type3A_417 = arith.truncf %max3A_413 : vector<1024x128xf32> to vector<1024x128xbf16>
    %convert_element_type3A_418 = arith.truncf %get3A_416 : vector<128x8xf32> to vector<128x8xbf16>
    %dot_general3A_419 = arith.constant dense<0.000000e+00> : vector<1024x8xf32>
    %dot_general3A_420 = tpu.matmul %convert_element_type3A_417, %convert_element_type3A_418, %dot_general3A_419 {dimension_numbers = #tpu.dot_dimension_numbers<[1], [0], [0], [1], [0, 0, 1, 1], [], []>, transpose_lhs_hint = false} : vector<1024x128xbf16>, vector<128x8xbf16>, vector<1024x8xf32> -> vector<1024x8xf32>
    %mul3A_421 = arith.constant 16 : i32
    %mul3A_422 = arith.muli %arg0, %mul3A_421 : i32
    %add3A_423 = arith.constant 15 : i32
    %add3A_424 = arith.addi %mul3A_422, %add3A_423 : i32
    %get3A_425 = arith.index_cast %add3A_424 : i32 to index
    %get3A_426 = arith.constant 0 : index
    %get3A_427 = vector.load %arg3[%get3A_425, %get3A_426] : memref<128x128xf32, #tpu.memory_space<vmem>>, vector<1x128xf32>
    %sub3A_428 = vector.broadcast %get3A_427 : vector<1x128xf32> to vector<1024x128xf32>
    %sub3A_429 = arith.subf %concatenate3A, %sub3A_428 : vector<1024x128xf32>
    %get3A_430 = arith.constant 0 : index
    %get3A_431 = arith.constant 0 : index
    %get3A_432 = vector.load %arg4[%get3A_430, %get3A_431] : memref<128x128xf32, #tpu.memory_space<vmem>>, vector<128x128xf32>
    %convert_element_type3A_433 = arith.truncf %sub3A_429 : vector<1024x128xf32> to vector<1024x128xbf16>
    %convert_element_type3A_434 = arith.truncf %get3A_432 : vector<128x128xf32> to vector<128x128xbf16>
    %dot_general3A_435 = arith.constant dense<0.000000e+00> : vector<1024x128xf32>
    %dot_general3A_436 = tpu.matmul %convert_element_type3A_433, %convert_element_type3A_434, %dot_general3A_435 {dimension_numbers = #tpu.dot_dimension_numbers<[1], [0], [0], [1], [0, 0, 1, 1], [], []>, transpose_lhs_hint = false} : vector<1024x128xbf16>, vector<128x128xbf16>, vector<1024x128xf32> -> vector<1024x128xf32>
    %add3A_437 = vector.broadcast %get3A_6 : vector<1x128xf32> to vector<1024x128xf32>
    %add3A_438 = arith.addf %dot_general3A_436, %add3A_437 : vector<1024x128xf32>
    %max3A_439 = arith.constant 0.000000e+00 : f32
    %max3A_440 = vector.broadcast %max3A_439 : f32 to vector<1024x128xf32>
    %max3A_441 = arith.maximumf %add3A_438, %max3A_440 : vector<1024x128xf32>
    %get3A_442 = arith.constant 0 : index
    %get3A_443 = arith.constant 0 : index
    %get3A_444 = vector.load %arg6[%get3A_442, %get3A_443] : memref<128x8xf32, #tpu.memory_space<vmem>>, vector<128x8xf32>
    %convert_element_type3A_445 = arith.truncf %max3A_441 : vector<1024x128xf32> to vector<1024x128xbf16>
    %convert_element_type3A_446 = arith.truncf %get3A_444 : vector<128x8xf32> to vector<128x8xbf16>
    %dot_general3A_447 = arith.constant dense<0.000000e+00> : vector<1024x8xf32>
    %dot_general3A_448 = tpu.matmul %convert_element_type3A_445, %convert_element_type3A_446, %dot_general3A_447 {dimension_numbers = #tpu.dot_dimension_numbers<[1], [0], [0], [1], [0, 0, 1, 1], [], []>, transpose_lhs_hint = false} : vector<1024x128xbf16>, vector<128x8xbf16>, vector<1024x8xf32> -> vector<1024x8xf32>
    %get3A_449 = arith.constant 0 : index
    %get3A_450 = arith.constant 0 : index
    %get3A_451 = vector.load %arg1[%get3A_449, %get3A_450] : memref<1024x128xf32, #tpu.memory_space<vmem>>, vector<1024x128xf32>
    %concatenate3A_452 = tpu.concatenate %dot_general3A_28, %dot_general3A_56, %dot_general3A_84, %dot_general3A_112, %dot_general3A_140, %dot_general3A_168, %dot_general3A_196, %dot_general3A_224, %dot_general3A_252, %dot_general3A_280, %dot_general3A_308, %dot_general3A_336, %dot_general3A_364, %dot_general3A_392, %dot_general3A_420, %dot_general3A_448 in 1 : vector<1024x8xf32>, vector<1024x8xf32>, vector<1024x8xf32>, vector<1024x8xf32>, vector<1024x8xf32>, vector<1024x8xf32>, vector<1024x8xf32>, vector<1024x8xf32>, vector<1024x8xf32>, vector<1024x8xf32>, vector<1024x8xf32>, vector<1024x8xf32>, vector<1024x8xf32>, vector<1024x8xf32>, vector<1024x8xf32>, vector<1024x8xf32> -> vector<1024x128xf32>
    %add3A_453 = arith.addf %get3A_451, %concatenate3A_452 : vector<1024x128xf32>
    %get3A_454 = arith.constant 0 : index
    %get3A_455 = arith.constant 0 : index
    %get3A_456 = vector.load %arg7[%get3A_454, %get3A_455] : memref<1x1xf32, #tpu.memory_space<vmem>>, vector<1x1xf32>
    %get3A_457 = vector.extract %get3A_456[0, 0] : f32 from vector<1x1xf32>
    %add3A_458 = vector.broadcast %get3A_457 : f32 to vector<1024x128xf32>
    %add3A_459 = arith.addf %add3A_453, %add3A_458 : vector<1024x128xf32>
    %swap3A = arith.constant 0 : index
    %swap3A_460 = arith.constant 0 : index
    %swap3A_461 = vector.load %arg8[%swap3A, %swap3A_460] : memref<1024x128xf32, #tpu.memory_space<vmem>>, vector<1024x128xf32>
    tpu.vector_store %arg8[%swap3A, %swap3A_460], %add3A_459 {strides = array<i32>} : memref<1024x128xf32, #tpu.memory_space<vmem>>, vector<1024x128xf32>,
    return
  }
  func.func @transform_0(%arg0: i32) -> (i32, i32) {
    %c0_i32 = arith.constant 0 : i32
    %c0_i32_0 = arith.constant 0 : i32
    return %c0_i32, %arg0 : i32, i32
  }
  func.func @transform_1(%arg0: i32) -> (i32, i32, i32) {
    %c0_i32 = arith.constant 0 : i32
    %c0_i32_0 = arith.constant 0 : i32
    %c0_i32_1 = arith.constant 0 : i32
    %c0_i32_2 = arith.constant 0 : i32
    return %c0_i32, %c0_i32_0, %c0_i32_1 : i32, i32, i32
  }
  func.func @transform_2(%arg0: i32) -> (i32, i32) {
    %c0_i32 = arith.constant 0 : i32
    %c0_i32_0 = arith.constant 0 : i32
    %c0_i32_1 = arith.constant 0 : i32
    return %c0_i32, %c0_i32_0 : i32, i32
  }
  func.func @transform_3(%arg0: i32) -> (i32, i32) {
    %c0_i32 = arith.constant 0 : i32
    %c0_i32_0 = arith.constant 0 : i32
    %c0_i32_1 = arith.constant 0 : i32
    return %c0_i32, %c0_i32_0 : i32, i32
  }
  func.func @transform_4(%arg0: i32) -> (i32, i32) {
    %c0_i32 = arith.constant 0 : i32
    %c0_i32_0 = arith.constant 0 : i32
    %c0_i32_1 = arith.constant 0 : i32
    return %c0_i32, %c0_i32_0 : i32, i32
  }
  func.func @transform_5(%arg0: i32) -> (i32, i32) {
    %c0_i32 = arith.constant 0 : i32
    %c0_i32_0 = arith.constant 0 : i32
    %c0_i32_1 = arith.constant 0 : i32
    return %c0_i32, %c0_i32_0 : i32, i32
  }
  func.func @transform_6(%arg0: i32) -> (i32, i32) {
    %c0_i32 = arith.constant 0 : i32
    %c0_i32_0 = arith.constant 0 : i32
    %c0_i32_1 = arith.constant 0 : i32
    return %c0_i32, %c0_i32_0 : i32, i32
  }
  func.func @transform_7(%arg0: i32) -> (i32, i32) {
    %c0_i32 = arith.constant 0 : i32
    %c0_i32_0 = arith.constant 0 : i32
    return %c0_i32, %arg0 : i32, i32
  }
}

module attributes {stable_mosaic.version = 14 : i64} {
  func.func @_softmax_rt_kernel(%arg0: i32, %arg1: memref<256x1024xf32, #tpu.memory_space<vmem>>, %arg2: memref<256x16xf32, #tpu.memory_space<vmem>>, %arg3: memref<256x1024xf32, #tpu.memory_space<vmem>>, %arg4: memref<1024x16xf32, #tpu.memory_space<vmem>>) attributes {dimension_semantics = [#tpu.dimension_semantics<arbitrary>], iteration_bounds = array<i64: 4>, scalar_prefetch = 0 : i64, scratch_operands = 0 : i64, tpu.core_type = #tpu.core_type<tc>, window_params = [{transform_indices = @transform_0, window_bounds = array<i64: 256, 1024>}, {transform_indices = @transform_1, window_bounds = array<i64: 256, 16>}, {transform_indices = @transform_2, window_bounds = array<i64: 256, 1024>}, {pipeline_mode = #tpu.pipeline_mode<synchronous>, transform_indices = @transform_3, window_bounds = array<i64: 1024, 16>}]} {
    %get3A = arith.constant 0 : index
    %get3A_0 = arith.constant 0 : index
    %get3A_1 = vector.load %arg1[%get3A, %get3A_0] : memref<256x1024xf32, #tpu.memory_space<vmem>>, vector<256x1024xf32>
    %reduce_max3A = arith.constant dense<0xFF800000> : vector<256xf32>
    %reduce_max3A_2 = vector.multi_reduction <maximumf>, %get3A_1, %reduce_max3A [1] : vector<256x1024xf32> to vector<256xf32>
    %broadcast_in_dim3A = vector.shape_cast %reduce_max3A_2 : vector<256xf32> to vector<256x1xf32>
    %sub3A = vector.broadcast %broadcast_in_dim3A : vector<256x1xf32> to vector<256x1024xf32>
    %sub3A_3 = arith.subf %get3A_1, %sub3A : vector<256x1024xf32>
    %exp3A = math.exp %sub3A_3 : vector<256x1024xf32>
    %reduce_sum3A = arith.constant dense<0.000000e+00> : vector<256xf32>
    %reduce_sum3A_4 = vector.multi_reduction <add>, %exp3A, %reduce_sum3A [1] : vector<256x1024xf32> to vector<256xf32>
    %broadcast_in_dim3A_5 = vector.shape_cast %reduce_sum3A_4 : vector<256xf32> to vector<256x1xf32>
    %div3A = vector.broadcast %broadcast_in_dim3A_5 : vector<256x1xf32> to vector<256x1024xf32>
    %div3A_6 = arith.divf %exp3A, %div3A : vector<256x1024xf32>
    %swap3A = arith.constant 0 : index
    %swap3A_7 = arith.constant 0 : index
    %swap3A_8 = vector.load %arg3[%swap3A, %swap3A_7] : memref<256x1024xf32, #tpu.memory_space<vmem>>, vector<256x1024xf32>
    tpu.vector_store %arg3[%swap3A, %swap3A_7], %div3A_6 {strides = array<i32>} : memref<256x1024xf32, #tpu.memory_space<vmem>>, vector<256x1024xf32>,
    %get3A_9 = arith.constant 0 : index
    %get3A_10 = arith.constant 0 : index
    %get3A_11 = vector.load %arg2[%get3A_9, %get3A_10] : memref<256x16xf32, #tpu.memory_space<vmem>>, vector<256x16xf32>
    %convert_element_type3A = arith.truncf %div3A_6 : vector<256x1024xf32> to vector<256x1024xbf16>
    %convert_element_type3A_12 = arith.truncf %get3A_11 : vector<256x16xf32> to vector<256x16xbf16>
    %dot_general3A = arith.constant dense<0.000000e+00> : vector<1024x16xf32>
    %dot_general3A_13 = tpu.matmul %convert_element_type3A, %convert_element_type3A_12, %dot_general3A {dimension_numbers = #tpu.dot_dimension_numbers<[0], [0], [1], [1], [0, 1, 1, 1], [], []>, transpose_lhs_hint = false} : vector<256x1024xbf16>, vector<256x16xbf16>, vector<1024x16xf32> -> vector<1024x16xf32>
    %eq3A = arith.constant 0 : i32
    %eq3A_14 = arith.cmpi eq, %arg0, %eq3A : i32
    %convert_element_type3A_15 = arith.extui %eq3A_14 : i1 to i32
    %cond3A = arith.constant 0 : i32
    %cond3A_16 = arith.cmpi ne, %convert_element_type3A_15, %cond3A : i32
    scf.if %cond3A_16 {
      %swap3A_21 = arith.constant 0 : index
      %swap3A_22 = arith.constant 0 : index
      %swap3A_23 = vector.load %arg4[%swap3A_21, %swap3A_22] : memref<1024x16xf32, #tpu.memory_space<vmem>>, vector<1024x16xf32>
      tpu.vector_store %arg4[%swap3A_21, %swap3A_22], %dot_general3A_13 {strides = array<i32>} : memref<1024x16xf32, #tpu.memory_space<vmem>>, vector<1024x16xf32>,
    } else {
    }
    %gt3A = arith.constant 0 : i32
    %gt3A_17 = arith.cmpi sgt, %arg0, %gt3A : i32
    %convert_element_type3A_18 = arith.extui %gt3A_17 : i1 to i32
    %cond3A_19 = arith.constant 0 : i32
    %cond3A_20 = arith.cmpi ne, %convert_element_type3A_18, %cond3A_19 : i32
    scf.if %cond3A_20 {
      %get3A_21 = arith.constant 0 : index
      %get3A_22 = arith.constant 0 : index
      %get3A_23 = vector.load %arg4[%get3A_21, %get3A_22] : memref<1024x16xf32, #tpu.memory_space<vmem>>, vector<1024x16xf32>
      %add3A = arith.addf %get3A_23, %dot_general3A_13 : vector<1024x16xf32>
      %swap3A_24 = arith.constant 0 : index
      %swap3A_25 = arith.constant 0 : index
      %swap3A_26 = vector.load %arg4[%swap3A_24, %swap3A_25] : memref<1024x16xf32, #tpu.memory_space<vmem>>, vector<1024x16xf32>
      tpu.vector_store %arg4[%swap3A_24, %swap3A_25], %add3A {strides = array<i32>} : memref<1024x16xf32, #tpu.memory_space<vmem>>, vector<1024x16xf32>,
    } else {
    }
    return
  }
  func.func @transform_0(%arg0: i32) -> (i32, i32) {
    %c0_i32 = arith.constant 0 : i32
    %c0_i32_0 = arith.constant 0 : i32
    return %arg0, %c0_i32 : i32, i32
  }
  func.func @transform_1(%arg0: i32) -> (i32, i32) {
    %c0_i32 = arith.constant 0 : i32
    %c0_i32_0 = arith.constant 0 : i32
    return %arg0, %c0_i32 : i32, i32
  }
  func.func @transform_2(%arg0: i32) -> (i32, i32) {
    %c0_i32 = arith.constant 0 : i32
    %c0_i32_0 = arith.constant 0 : i32
    return %arg0, %c0_i32 : i32, i32
  }
  func.func @transform_3(%arg0: i32) -> (i32, i32) {
    %c0_i32 = arith.constant 0 : i32
    %c0_i32_0 = arith.constant 0 : i32
    %c0_i32_1 = arith.constant 0 : i32
    return %c0_i32, %c0_i32_0 : i32, i32
  }
}

module attributes {stable_mosaic.version = 14 : i64} {
  func.func @_softmax_kernel(%arg0: i32, %arg1: memref<256x1024xf32, #tpu.memory_space<vmem>>, %arg2: memref<256x1024xf32, #tpu.memory_space<vmem>>) attributes {dimension_semantics = [#tpu.dimension_semantics<arbitrary>], iteration_bounds = array<i64: 4>, scalar_prefetch = 0 : i64, scratch_operands = 0 : i64, tpu.core_type = #tpu.core_type<tc>, window_params = [{transform_indices = @transform_0, window_bounds = array<i64: 256, 1024>}, {transform_indices = @transform_1, window_bounds = array<i64: 256, 1024>}]} {
    %get3A = arith.constant 0 : index
    %get3A_0 = arith.constant 0 : index
    %get3A_1 = vector.load %arg1[%get3A, %get3A_0] : memref<256x1024xf32, #tpu.memory_space<vmem>>, vector<256x1024xf32>
    %reduce_max3A = arith.constant dense<0xFF800000> : vector<256xf32>
    %reduce_max3A_2 = vector.multi_reduction <maximumf>, %get3A_1, %reduce_max3A [1] : vector<256x1024xf32> to vector<256xf32>
    %broadcast_in_dim3A = vector.shape_cast %reduce_max3A_2 : vector<256xf32> to vector<256x1xf32>
    %sub3A = vector.broadcast %broadcast_in_dim3A : vector<256x1xf32> to vector<256x1024xf32>
    %sub3A_3 = arith.subf %get3A_1, %sub3A : vector<256x1024xf32>
    %exp3A = math.exp %sub3A_3 : vector<256x1024xf32>
    %reduce_sum3A = arith.constant dense<0.000000e+00> : vector<256xf32>
    %reduce_sum3A_4 = vector.multi_reduction <add>, %exp3A, %reduce_sum3A [1] : vector<256x1024xf32> to vector<256xf32>
    %broadcast_in_dim3A_5 = vector.shape_cast %reduce_sum3A_4 : vector<256xf32> to vector<256x1xf32>
    %div3A = vector.broadcast %broadcast_in_dim3A_5 : vector<256x1xf32> to vector<256x1024xf32>
    %div3A_6 = arith.divf %exp3A, %div3A : vector<256x1024xf32>
    %swap3A = arith.constant 0 : index
    %swap3A_7 = arith.constant 0 : index
    %swap3A_8 = vector.load %arg2[%swap3A, %swap3A_7] : memref<256x1024xf32, #tpu.memory_space<vmem>>, vector<256x1024xf32>
    tpu.vector_store %arg2[%swap3A, %swap3A_7], %div3A_6 {strides = array<i32>} : memref<256x1024xf32, #tpu.memory_space<vmem>>, vector<256x1024xf32>,
    return
  }
  func.func @transform_0(%arg0: i32) -> (i32, i32) {
    %c0_i32 = arith.constant 0 : i32
    %c0_i32_0 = arith.constant 0 : i32
    return %arg0, %c0_i32 : i32, i32
  }
  func.func @transform_1(%arg0: i32) -> (i32, i32) {
    %c0_i32 = arith.constant 0 : i32
    %c0_i32_0 = arith.constant 0 : i32
    return %arg0, %c0_i32 : i32, i32
  }
}

</mosaic_0001>

<sc_bundles>
// kernel: kernel.17.cloned.1.call-start
scs
__scs_entry_jumppad:
0x0: {  	(pc) =	sbr.rel $0x88, $3  }
0x1: {  	(tag) =	ssettag $0x0;
	lr =	simm.s32 $0x1  }
0x2: {  	[smem:$0x3F8F] =	sst lr;
	_ =	strace $0xD0000000  }
0x3: {  	_ = 	snop  }
0x4: {  	_ = 	snop  }
0x5: {  	_ = 	snop  }
0x6: {  	_ = 	snop  }
0x7: {  	_ = 	snop  }
__scs_overlays_trampoline_lowered:
0x8: {  	[smem:$0x3F9E] =	sst s0  }
0x9: {  	[smem:$0x3F9F] =	sst s1  }
0xa: {  	[smem:$0x3FA0] =	sst s2  }
0xb: {  	[smem:$0x3FA1] =	sst s3  }
0xc: {  	[smem:$0x3FA2] =	sst s4  }
0xd: {  	[smem:$0x3FA3] =	sst s5  }
0xe: {  	[smem:$0x3FA4] =	sst s6  }
0xf: {  	[smem:$0x3FA5] =	sst s7  }
0x10: {  	[smem:$0x3FA6] =	sst s8  }
0x11: {  	[smem:$0x3FA7] =	sst s9;
	s0 =	simm.s32 @!p0 $0x0  }
0x12: {  	s1 =	sld [smem:$0x3F8D];
	s0 =	simm.s32 @p0 $0x1  }
0x13: {  	[smem:$0x3FA8] =	sst s0;
	s0 =	simm.s32 @!p1 $0x0  }
0x14: {  	s2 =	sld [smem:$0x3F8C];
	s0 =	simm.s32 @p1 $0x1  }
0x15: {  	[smem:$0x3FA9] =	sst s0;
	s0 =	simm.s32 @!p2 $0x0  }
0x16: {  	s3 =	sld [smem:$0x3FDB];
	s0 =	simm.s32 @p2 $0x1  }
0x17: {  	s4 =	simm.s32 $0x1BF5;
	[smem:$0x3FAB] =	sst s0  }
0x18: {  	s0 =	sld [smem:$0x3F8E];
	_ =	swait.ge [sflag:s4], $0x0  }
0x19: {  	s7 =	sld [smem:$0x3F8F]  }
0x1a: {  	s8 =	sadd.s32 $0xFFFFE003, lr  }
0x1b: {  	s9 =	sadd.s32 $0xFFFFFEF7, lr;
	s5 =	simm.s32 $0xFFFFFFFF;
	p2 =	slt.u32 s8, $0xFFFFF086  }
0x1c: {  	p1 =	slt.u32 s9, $0xF7A;
	s5 =	simm.s32 @!p2 $0x0  }
0x1d: {  	s5 =	simm.s32 @p1 $0x1;
	p0 =	seq.s32 s7, s2  }
0x1e: {  	s7 =	smul.u32 @!p0 $0xF7A, s2;
	p2 =	seq.s32 @!p0 s5, $0x0  }
0x1f: {  	s9 =	smul.u32 $0xF7A, s1;
	s8 =	simm.s32 @!p0 $0x1BF5;
	p2 =	por !p2, p0  }
0x20: {  	[sflag:s8] =	ssyncset.s32 @!p0 $0xFFFFF086;
	s6 =	sadd.s32 @!p0 s3, s7;
	s7 =	simm.s32 @!p0 $0x108  }
0x21: {  	s3 =	sadd.s32 s3, s9;
	s6 =	sadd.s32 @!p0 $0x88, s6;
	s7 =	simm.s32 @p2 $0x1082  }
0x22: {  	[simem:s7], [sflag:s8] =	dma.local @!p0 [hbm:s6], $0xF7A  }
0x23: {  	s9 =	sor.u32 $0xD0000000, s2;
	s6 =	simm.s32 $0x108;
	_ =	swait.ge @!p0 [sflag:s8], $0x0  }
0x24: {  	s3 =	sadd.s32 $0x88, s3;
	s6 =	simm.s32 @!p1 $0x1082;
	[sflag:s4] =	ssyncset.s32 $0xFFFFF086  }
0x25: {  	[simem:s6], [sflag:s4] =	dma.local [hbm:s3], $0xF7A  }
0x26: {  	[smem:$0x3F8F] =	sst s1;
	(tag) =	ssettag s2;
	_ =	strace s9  }
0x27: {  	s1 =	sld [smem:$0x3F9F]  }
0x28: {  	s2 =	sld [smem:$0x3FA0]  }
0x29: {  	s4 =	sld [smem:$0x3FA2]  }
0x2a: {  	p0 =	seq.s32 s5, $0x0;
	s5 =	sld [smem:$0x3FA3]  }
0x2b: {  	s6 =	sld [smem:$0x3FA4]  }
0x2c: {  	s7 =	sld [smem:$0x3FA5]  }
0x2d: {  	s3 =	simm.s32 $0x108;
	s8 =	sld [smem:$0x3FA6]  }
0x2e: {  	s3 =	simm.s32 @!p0 $0x1082;
	s9 =	sld [smem:$0x3FA7]  }
0x2f: {  	lr =	sadd.s32 s0, s3;
	s0 =	sld [smem:$0x3F9E]  }
0x30: {  	s3 =	sld [smem:$0x3FA1]  }
0x31: {  	[smem:$0x3FAA] =	sst s10  }
0x32: {  	s10 =	sld [smem:$0x3FA8];
	_ =	sdelay $0x3  }
0x33: {  	p0 =	seq.s32 s10, $0x1;
	s10 =	sld [smem:$0x3FAA];
	_ =	sdelay $0x3  }
0x34: {  	[smem:$0x3FAA] =	sst s10  }
0x35: {  	s10 =	sld [smem:$0x3FA9];
	_ =	sdelay $0x3  }
0x36: {  	p1 =	seq.s32 s10, $0x1;
	s10 =	sld [smem:$0x3FAA];
	_ =	sdelay $0x3  }
0x37: {  	[smem:$0x3FAA] =	sst s10  }
0x38: {  	s10 =	sld [smem:$0x3FAB]  }
0x39: {  	_ = 	snop;
	(pc) =	sbr.ind lr, $3  }
0x3a: {  	_ = 	snop  }
0x3b: {  	_ = 	snop  }
0x3c: {  	p2 =	seq.s32 s10, $0x1;
	s10 =	sld [smem:$0x3FAA]  }
0x3d: {  	_ =	shalt  }
0x3e: {  	_ =	shalt  }
0x3f: {  	_ =	shalt  }
0x40: {  	_ =	shalt  }
0x41: {  	_ =	shalt  }
0x42: {  	_ =	shalt  }
0x43: {  	_ =	shalt  }
0x44: {  	_ =	shalt  }
0x45: {  	_ =	shalt  }
0x46: {  	_ =	shalt  }
0x47: {  	_ =	shalt  }
0x48: {  	_ =	shalt  }
0x49: {  	_ =	shalt  }
0x4a: {  	_ =	shalt  }
0x4b: {  	_ =	shalt  }
0x4c: {  	_ =	shalt  }
0x4d: {  	_ =	shalt  }
0x4e: {  	_ =	shalt  }
0x4f: {  	_ =	shalt  }
0x50: {  	_ =	shalt  }
0x51: {  	_ =	shalt  }
0x52: {  	_ =	shalt  }
0x53: {  	_ =	shalt  }
0x54: {  	_ =	shalt  }
0x55: {  	_ =	shalt  }
0x56: {  	_ =	shalt  }
0x57: {  	_ =	shalt  }
0x58: {  	_ =	shalt  }
0x59: {  	_ =	shalt  }
0x5a: {  	_ =	shalt  }
0x5b: {  	_ =	shalt  }
0x5c: {  	_ =	shalt  }
0x5d: {  	_ =	shalt  }
0x5e: {  	_ =	shalt  }
0x5f: {  	_ =	shalt  }
0x60: {  	_ =	shalt  }
0x61: {  	_ =	shalt  }
0x62: {  	_ =	shalt  }
0x63: {  	_ =	shalt  }
0x64: {  	_ =	shalt  }
0x65: {  	_ =	shalt  }
0x66: {  	_ =	shalt  }
0x67: {  	_ =	shalt  }
0x68: {  	_ =	shalt  }
0x69: {  	_ =	shalt  }
0x6a: {  	_ =	shalt  }
0x6b: {  	_ =	shalt  }
0x6c: {  	_ =	shalt  }
0x6d: {  	_ =	shalt  }
0x6e: {  	_ =	shalt  }
0x6f: {  	_ =	shalt  }
0x70: {  	_ =	shalt  }
0x71: {  	_ =	shalt  }
0x72: {  	_ =	shalt  }
0x73: {  	_ =	shalt  }
0x74: {  	_ =	shalt  }
0x75: {  	_ =	shalt  }
0x76: {  	_ =	shalt  }
0x77: {  	_ =	shalt  }
0x78: {  	_ =	shalt  }
0x79: {  	_ =	shalt  }
0x7a: {  	_ =	shalt  }
0x7b: {  	_ =	shalt  }
0x7c: {  	_ =	shalt  }
0x7d: {  	_ =	shalt  }
0x7e: {  	_ =	shalt  }
0x7f: {  	_ =	shalt  }
0x80: {  	_ =	shalt  }
0x81: {  	_ =	shalt  }
0x82: {  	_ =	shalt  }
0x83: {  	_ =	shalt  }
0x84: {  	_ =	shalt  }
0x85: {  	_ =	shalt  }
0x86: {  	_ =	shalt  }
0x87: {  	_ =	shalt  }
.Lfunc_end0:
.L_simem_size_0:
called_computation_lowered:
.L_overlay_start_0:
0x88: {  	s2 =	sld [smem:$0x3FD9]  }
0x89: {  	s3 =	sld [smem:$0x3FFE];
	_ =	sdelay $0x1  }
0x8a: {  	s1 =	srdreg.scid  }
0x8b: {  	s0 =	sand.u32 $0x1, s1  }
0x8c: {  	s14 =	sshll.u32 s0, $0xA;
	s2 =	sadd.s32 s3, s2  }
0x8d: {  	s2 =	sadd.s32 s2, s14  }
0x8e: {  	[smem:$0x3FB6] =	sst s2  }
0x8f: {  	_ = 	snop  }
0x90: {  	s2 =	sld [smem:$0x3FD0];
	_ =	sdelay $0x2  }
0x91: {  	s15 =	simm.s32 $0xA;
	s4 =	simm.s32 $0x10  }
0x92: {  	[smem:s4], [sflag:s15] =	dma.local [hbm:s2], $0x1  }
0x93: {  	_ =	swait.eq [sflag:s15], $0x1  }
0x94: {  	[sflag:s15] =	ssyncset.done $0x0  }
0x95: {  	s16 =	sld [smem:$0x10];
	[sflag:s15] =	ssyncadd.s32 $0xFFFFFFFF  }
0x96: {  	s17 =	sld [smem:$0x11];
	(tm) =	ssettm $0x1  }
0x97: {  	s18 =	sld [smem:$0x3FFB];
	_ =	sdelay $0x3  }
0x98: {  	_ =	strace s18  }
0x99: {  	s4 =	sld [smem:$0x3FFC];
	_ =	sdelay $0x3  }
0x9a: {  	_ =	strace s4  }
0x9b: {  	s4 =	sld [smem:$0x3FFD];
	_ =	sdelay $0x3  }
0x9c: {  	_ =	strace s4  }
0x9d: {  	_ =	strace $0x8FFFFFFF  }
0x9e: {  	s19 =	sld [smem:$0x3FDB];
	_ =	sdelay $0x1  }
0x9f: {  	s5 =	simm.s32 $_scs_section_size  }
0xa0: {  	s6 =	simm.s32 $_size__tile_overlayer_lowered;
	s7 =	simm.s32 $_tile_overlayer_lowered  }
0xa1: {  	s22 =	simm.s32 $0x1BFF;
	s21 =	sshll.u32 s7, $0x1;
	s4 =	sadd.s32 s5, s19  }
0xa2: {  	s8 =	simm.s32 $0x0;
	s20 =	sshll.u32 s6, $0x1;
	s6 =	sadd.s32 s21, s4  }
0xa3: {  	[timem:s8], [sflag:s22] =	dma.local [hbm:s6], s20  }
0xa4: {  	_ =	swait.ge [sflag:s22], s20  }
0xa5: {  	s5 =	ssub.s32 $0x0, s20;
	[sflag:s22] =	ssyncset.done $0x0  }
0xa6: {  	[sflag:s22] =	ssyncadd.s32 s5;
	_ =	sdelay $0x1  }
0xa7: {  	s23 =	simm.s32 $0x1B8B  }
0xa8: {  	_ =	swait.ge [sflag:s23], $0x1  }
0xa9: {  	[sflag:s23] =	ssyncset.done $0x0  }
0xaa: {  	s25 =	simm.s32 $0x1B8E;
	s24 =	sld [smem:$0x3FFE];
	[sflag:s23] =	ssyncadd.s32 $0xFFFFFFFF  }
0xab: {  	s26 =	simm.s32 $execute0_lowered;
	[smem:$0x3FD2] =	sst s25  }
0xac: {  	s6 =	sshll.u32 s26, $0x1;
	_ =	strace $0x80000046;
	[dreg:$0x1] =	wrdreg $0xFFFFFFFF  }
0xad: {  	s28 =	simm.s32 $_size_execute0_lowered;
	s4 =	sadd.s32 s4, s6;
	[dreg:$0x0] =	wrdreg $0x0  }
0xae: {  	s6 =	sshll.u32 s28, $0x1;
	[dreg:$0x2] =	wrdreg s4  }
0xaf: {  	[dreg:$0x3] =	wrdreg s6  }
0xb0: {  	[dreg:$0x4] =	wrdreg $0xC0  }
0xb1: {  	_ =	task [dreg:s8], $0x5FFFF  }
0xb2: {  	[dreg:$0x1] =	wrdreg $0xFFFFFFFF  }
0xb3: {  	[dreg:$0x0] =	wrdreg $0x60  }
0xb4: {  	[dreg:$0x2] =	wrdreg s24  }
0xb5: {  	[dreg:$0x3] =	wrdreg s17  }
0xb6: {  	[dreg:$0x4] =	wrdreg s16  }
0xb7: {  	[dreg:$0x5] =	wrdreg $0x9  }
0xb8: {  	_ =	task.clear_ibuf [dreg:s8], $0x6FFFF;
	_ =	strace $0x90000046  }
0xb9: {  	s29 =	simm.s32 $0x9;
	_ =	strace $0x80000048  }
0xba: {  	_ =	swait.ge [sflag:s29], $0x1  }
0xbb: {  	[sflag:s29] =	ssyncadd.s32 $0xFFFFFFFF  }
0xbc: {  	_ =	strace $0x90000048  }
0xbd: {  	_ =	sfence  }
0xbe: {  	s30 =	sld [smem:$0x0];
	_ =	sdelay $0x2  }
0xbf: {  	s31 =	sshll.u32 s1, $0xD;
	s1 =	sshrl.u32 s1, $0x2  }
0xc0: {  	s3 =	sand.u32 $0x4000, s31;
	s1 =	sadd.s32 s1, s30  }
0xc1: {  	s0 =	sor.u32 s3, s0;
	s1 =	sshll.u32 s1, $0x11  }
0xc2: {  	s0 =	sor.u32 s1, s0  }
0xc3: {  	s0 =	sadd.s32 $0x8F2B, s0  }
0xc4: {  	[sflag:s0] =	ssyncadd.remote.s32 $0x1  }
0xc5: {  	_ =	sfence.sel $0xFFFF  }
0xc6: {  	[dreg:$0x0] =	wrdreg $0xFFFFFFFF;
	(pc) =	sbr.abs _section_cstart, $3  }
0xc7: {  	[dreg:$0x1] =	wrdreg $0xFFFFFFFF  }
0xc8: {  	_ =	task.clear_ibuf [dreg:s8], $0x2FFFF;
	_ =	strace $0x9FFFFFFF  }
0xc9: {  	(tm) =	ssettm $0x7FFFFFFF  }
tec
execute0_lowered:
.L_overlay_start_1:
0x0: {  	(tag) =	ssettag $0x1  }
0x1: {  	s2 =	rddreg [dreg:$0x0]  }
0x2: {  	s9 =	rddreg [dreg:$0x1]  }
0x3: {  	s11 =	rddreg [dreg:$0x2]  }
0x4: {  	s0 =	rddreg [dreg:$0x3];
	s1 =	simm.s32 $0x0;
	s3 =	srdreg.scid  }
0x5: {  	s16 =	simm.s32 $0x80;
	s17 =	simm.s32 $0x100;
	s18 =	simm.s32 $0x4000  }
0x6: {  	s19 =	simm.s32 $0x1000;
	s20 =	simm.s32 $0x20000;
	s23 =	simm.s32 $0x0  }
0x7: {  	[smem:$0x7FF] =	sst s1;
	s8 =	sand.u32 $0x1, s3;
	s3 =	sadd.s32 $0x5A00, s2  }
0x8: {  	_ =	strace $0x80000047;
	s4 =	sshll.u32 s8, $0x4;
	s5 =	ssub.s32 $0x2, s8  }
0x9: {  	s13 =	sshll.u32 s8, $0x12;
	s15 =	sshll.u32 s8, $0xF;
	s6 =	sadd.s32 s4, s2  }
0xa: {  	s2 =	stileid.u32;
	s29 =	sshrl.u32 s5, $0x1;
	s30 =	sadd.s32 s9, s15  }
0xb: {  	s15 =	simm.s32 $0x1A000;
	s12 =	ssub.s32 s5, s29;
	s21 =	sshll.u32 s2, $0x6  }
0xc: {  	s7 =	sshll.u32 s2, $0xE;
	s4 =	sadd.s32 $0x3A00, s6;
	s5 =	sadd.s32 $0x4A00, s6  }
0xd: {  	s10 =	sshll.u32 s2, $0x7;
	s14 =	sshll.u32 s2, $0xD;
	s6 =	sadd.s32 s7, s6  }
0xe: {  	s22 =	sadd.s32 $0x40, s21;
	s10 =	sor.u32 s7, s10;
	s7 =	sshll.u32 s2, $0xA  }
0xf: {  	s14 =	sor.u32 s14, s13;
	s12 =	smax.u32 s12, $0x1;
	v0 =	vmov s21;
	s21 =	simm.s32 $0x18000  }
0x10: {  	s6 =	sadd.s32 $0x7A00, s6;
	s10 =	sand.u32 $0x20380, s10;
	s14 =	sshrl.u32 s14, $0x3  }
0x11: {  	s8 =	sor.u32 $0x200, s7;
	v1 =	vmov s22;
	s22 =	simm.s32 $0x400;
	s10 =	sor.u32 s13, s10  }
0x12: {  	s9 =	sadd.s32 s9, s14;
	s13 =	simm.s32 $0x8000;
	s31 =	sshrl.u32 s10, $0x3  }
0x13: {  	v2 =	vimm.f32 $1.000000000e+00;
	s14 =	simm.s32 $0x1;
	s10 =	sadd.s32 s8, s30;
	s11 =	sadd.s32 s11, s31  }
.LBB2_1:
0x14: {  	[tilespmem:s13], [sflag:$0x1] =	stream.linear.gather [hbm4b:s3+s1], $0x10000, $0x38;
	[tilespmem:$0x1E000] =	vst v63  }
0x15: {  	_ =	swait.ge [sflag:s14], $0x10000  }
0x16: {  	[sflag:s14] =	ssyncset.done $0x0  }
0x17: {  	[sflag:s14] =	ssyncadd.s32 $0xFFFF0000  }
0x18: {  	[tilespmem:s15], [sflag:$0x1] =	stream.linear.gather [hbm4b:s3+s1], $0x4000, $0x38;
	[tilespmem:$0x1E000] =	vst v63  }
0x19: {  	_ =	swait.ge [sflag:s14], $0x4000  }
0x1a: {  	[sflag:s14] =	ssyncset.done $0x0  }
0x1b: {  	[sflag:s14] =	ssyncadd.s32 $0xFFFFC000  }
0x1c: {  	[tilespmem:s1], [sflag:$0x1] =	stream.strided.gather [hbm4b:s4+s16], $0x4000, s17, s16, $0x38;
	[tilespmem:$0x1E000] =	vst v63  }
0x1d: {  	_ =	swait.ge [sflag:s14], $0x4000  }
0x1e: {  	[sflag:s14] =	ssyncset.done $0x0  }
0x1f: {  	[sflag:s14] =	ssyncadd.s32 $0xFFFFC000  }
0x20: {  	[tilespmem:s18], [sflag:$0x1] =	stream.strided.gather [hbm4b:s5+s16], $0x4000, s17, s16, $0x38;
	[tilespmem:$0x1E000] =	vst v63  }
0x21: {  	_ =	swait.ge [sflag:s14], $0x4000  }
0x22: {  	[sflag:s14] =	ssyncset.done $0x0  }
0x23: {  	s25 =	simm.s32 $0x0;
	s24 =	simm.s32 $0x40;
	[sflag:s14] =	ssyncadd.s32 $0xFFFFC000  }
.LBB2_2:
0x24: {  	p0 =	sne.s32 s24, $0xFFC0;
	v3 =	vld [tilespmem:s25+$0x0];
	_ =	sdelay $0x1  }
0x25: {  	v4 =	vld [tilespmem:s25+$0x4000];
	_ =	sdelay $0x2  }
0x26: {  	v5 =	vsub.s32 v3, v0  }
0x27: {  	vm0 =	vge.s32 v3, v0;
	vm1 =	vlt.s32 v3, v1;
	v3 =	vshll.u32 v5, $0xA  }
0x28: {  	vm0 =	vmand vm0, vm1;
	v3 =	vadd.s32 v4, v3  }
0x29: {  	v3 =	vnsel vm0, $0x0, v3  }
.Ltmp0:
0x2a: {  	(pc) =	sbr.rel @p0 .LBB2_2-.Ltmp0, $2  }
0x2b: {  	_ =	sdelay $0x2  }
0x2c: {  	s25 =	sshra.s32 s24, $0x2;
	s24 =	sadd.s32 $0x40, s24;
	[tilespmem:v3+s13+$0x0] =	vst.idx.add.f32.msk vm0, v2  }
0x2d: {  	v3 =	vld [tilespmem:s25+$0x0];
	_ =	sdelay $0x1  }
0x2e: {  	v4 =	vld [tilespmem:s25+$0x4000];
	_ =	sdelay $0x2  }
0x2f: {  	v5 =	vsub.s32 v3, v0  }
0x30: {  	vm0 =	vge.s32 v3, v0;
	vm1 =	vlt.s32 v3, v1;
	v3 =	vshll.u32 v5, $0xA  }
0x31: {  	vm0 =	vmand vm0, vm1;
	v3 =	vadd.s32 v4, v3  }
0x32: {  	v3 =	vnsel vm0, $0x0, v3;
	_ =	sdelay $0x4  }
0x33: {  	[tilespmem:v3+s13+$0x0] =	vst.idx.add.f32.msk vm0, v2  }
0x34: {  	[hbm4b:s6+s16] =	stream.strided.scatter [tilespmem:s13], [sflag:$0x1], $0x10000, s17, s16, $0x38;
	[tilespmem:$0x1E000] =	vst v63  }
0x35: {  	_ =	swait.ge [sflag:s14], $0x10000  }
0x36: {  	[sflag:s14] =	ssyncset.done $0x0  }
0x37: {  	s24 =	simm.s32 $0x0;
	[sflag:s14] =	ssyncadd.s32 $0xFFFF0000  }
0x38: {  	[tilespmem:s21], [sflag:$0x1] =	stream.strided.gather [hbm4b:s9+s19], $0x2000, s20, s19, $0x38;
	[tilespmem:$0x1E000] =	vst v63  }
0x39: {  	s31 =	sand.u32 $0x180, s24;
	_ =	swait.ge [sflag:s14], $0x2000  }
0x3a: {  	s26 =	sand.u32 $0x70, s24;
	s25 =	sadd.s32 s31, s7;
	[sflag:s14] =	ssyncset.done $0x0  }
0x3b: {  	s25 =	sadd.s32 s26, s25;
	[sflag:s14] =	ssyncadd.s32 $0xFFFFE000  }
0x3c: {  	v3 =	vld [tilespmem:s25+$0x0];
	_ =	sdelay $0x2  }
0x3d: {  	s31 =	sand.u32 $0xC00, s24  }
0x3e: {  	s26 =	sor.u32 s26, s31  }
0x3f: {  	v4 =	vld [tilespmem:s26+$0x18000];
	v3 =	vshll.u32 v3, $0x4;
	_ =	sdelay $0x4  }
0x40: {  	[tilespmem:v3+s15+$0x0] =	vst.idx.add.f32.msk $0xffff, v4  }
0x41: {  	v5 =	vor.u32 $0x1, v3;
	v4 =	vld [tilespmem:s26+$0x18080];
	_ =	sdelay $0x4  }
0x42: {  	[tilespmem:v5+s15+$0x0] =	vst.idx.add.f32.msk $0xffff, v4  }
0x43: {  	v5 =	vor.u32 $0x2, v3;
	v4 =	vld [tilespmem:s26+$0x18100];
	_ =	sdelay $0x4  }
0x44: {  	[tilespmem:v5+s15+$0x0] =	vst.idx.add.f32.msk $0xffff, v4  }
0x45: {  	v5 =	vor.u32 $0x3, v3;
	v4 =	vld [tilespmem:s26+$0x18180];
	_ =	sdelay $0x4  }
0x46: {  	[tilespmem:v5+s15+$0x0] =	vst.idx.add.f32.msk $0xffff, v4  }
0x47: {  	v5 =	vor.u32 $0x4, v3;
	v4 =	vld [tilespmem:s26+$0x18200];
	_ =	sdelay $0x4  }
0x48: {  	[tilespmem:v5+s15+$0x0] =	vst.idx.add.f32.msk $0xffff, v4  }
0x49: {  	v5 =	vor.u32 $0x5, v3;
	v4 =	vld [tilespmem:s26+$0x18280];
	_ =	sdelay $0x4  }
0x4a: {  	[tilespmem:v5+s15+$0x0] =	vst.idx.add.f32.msk $0xffff, v4  }
0x4b: {  	v5 =	vor.u32 $0x6, v3;
	v4 =	vld [tilespmem:s26+$0x18300];
	_ =	sdelay $0x3  }
0x4c: {  	s31 =	sor.u32 s24, s24  }
0x4d: {  	s25 =	sor.u32 $0x380, s31;
	[tilespmem:v5+s15+$0x0] =	vst.idx.add.f32.msk $0xffff, v4  }
0x4e: {  	v5 =	vor.u32 $0x7, v3;
	v4 =	vld [tilespmem:s25+$0x18000];
	_ =	sdelay $0x4  }
0x4f: {  	[tilespmem:v5+s15+$0x0] =	vst.idx.add.f32.msk $0xffff, v4  }
0x50: {  	v5 =	vor.u32 $0x8, v3;
	v4 =	vld [tilespmem:s26+$0x19000];
	_ =	sdelay $0x4  }
0x51: {  	[tilespmem:v5+s15+$0x0] =	vst.idx.add.f32.msk $0xffff, v4  }
0x52: {  	v5 =	vor.u32 $0x9, v3;
	v4 =	vld [tilespmem:s26+$0x19080];
	_ =	sdelay $0x4  }
0x53: {  	[tilespmem:v5+s15+$0x0] =	vst.idx.add.f32.msk $0xffff, v4  }
0x54: {  	v5 =	vor.u32 $0xA, v3;
	v4 =	vld [tilespmem:s26+$0x19100];
	_ =	sdelay $0x4  }
0x55: {  	[tilespmem:v5+s15+$0x0] =	vst.idx.add.f32.msk $0xffff, v4  }
0x56: {  	v5 =	vor.u32 $0xB, v3;
	v4 =	vld [tilespmem:s26+$0x19180];
	_ =	sdelay $0x4  }
0x57: {  	[tilespmem:v5+s15+$0x0] =	vst.idx.add.f32.msk $0xffff, v4  }
0x58: {  	v5 =	vor.u32 $0xC, v3;
	v4 =	vld [tilespmem:s26+$0x19200];
	_ =	sdelay $0x4  }
0x59: {  	[tilespmem:v5+s15+$0x0] =	vst.idx.add.f32.msk $0xffff, v4  }
0x5a: {  	v5 =	vor.u32 $0xD, v3;
	v4 =	vld [tilespmem:s26+$0x19280];
	_ =	sdelay $0x4  }
0x5b: {  	[tilespmem:v5+s15+$0x0] =	vst.idx.add.f32.msk $0xffff, v4  }
0x5c: {  	v5 =	vor.u32 $0xE, v3;
	v4 =	vld [tilespmem:s26+$0x19300];
	_ =	sdelay $0x4  }
0x5d: {  	[tilespmem:v5+s15+$0x0] =	vst.idx.add.f32.msk $0xffff, v4  }
0x5e: {  	v3 =	vor.u32 $0xF, v3;
	v4 =	vld [tilespmem:s26+$0x19380]  }
0x5f: {  	s25 =	simm.s32 $0x10  }
0x60: {  	s29 =	sand.u32 $0x180, s25  }
0x61: {  	s30 =	simm.s32 $0x20;
	s28 =	sand.u32 $0x70, s25;
	s29 =	sadd.s32 s29, s7  }
.LBB2_4:
0x62: {  	s31 =	sadd.s32 s28, s29  }
0x63: {  	[tilespmem:v3+s15+$0x0] =	vst.idx.add.f32.msk $0xffff, v4;
	s24 =	sadd.s32 $0x80, s24;
	s29 =	smov.u32 s30;
	s26 =	sadd.s32 $0x10, s30  }
0x64: {  	p0 =	sne.s32 s30, $0x1F0;
	v3 =	vld [tilespmem:s31+$0x0];
	_ =	sdelay $0x2  }
0x65: {  	s30 =	sand.u32 $0xC00, s24  }
0x66: {  	s28 =	sor.u32 s28, s30  }
0x67: {  	v3 =	vshll.u32 v3, $0x4;
	v4 =	vld [tilespmem:s28+$0x18000];
	_ =	sdelay $0x4  }
0x68: {  	[tilespmem:v3+s15+$0x0] =	vst.idx.add.f32.msk $0xffff, v4  }
0x69: {  	v5 =	vor.u32 $0x1, v3;
	v4 =	vld [tilespmem:s28+$0x18080];
	_ =	sdelay $0x4  }
0x6a: {  	[tilespmem:v5+s15+$0x0] =	vst.idx.add.f32.msk $0xffff, v4  }
0x6b: {  	v5 =	vor.u32 $0x2, v3;
	v4 =	vld [tilespmem:s28+$0x18100];
	_ =	sdelay $0x4  }
0x6c: {  	[tilespmem:v5+s15+$0x0] =	vst.idx.add.f32.msk $0xffff, v4  }
0x6d: {  	v5 =	vor.u32 $0x3, v3;
	v4 =	vld [tilespmem:s28+$0x18180];
	_ =	sdelay $0x4  }
0x6e: {  	[tilespmem:v5+s15+$0x0] =	vst.idx.add.f32.msk $0xffff, v4  }
0x6f: {  	v5 =	vor.u32 $0x4, v3;
	v4 =	vld [tilespmem:s28+$0x18200];
	_ =	sdelay $0x4  }
0x70: {  	[tilespmem:v5+s15+$0x0] =	vst.idx.add.f32.msk $0xffff, v4  }
0x71: {  	v5 =	vor.u32 $0x5, v3;
	v4 =	vld [tilespmem:s28+$0x18280];
	_ =	sdelay $0x4  }
0x72: {  	[tilespmem:v5+s15+$0x0] =	vst.idx.add.f32.msk $0xffff, v4  }
0x73: {  	v5 =	vor.u32 $0x6, v3;
	v4 =	vld [tilespmem:s28+$0x18300];
	_ =	sdelay $0x3  }
0x74: {  	s30 =	sor.u32 s24, s25;
	s25 =	smov.u32 s29  }
0x75: {  	s29 =	sor.u32 $0x380, s30;
	[tilespmem:v5+s15+$0x0] =	vst.idx.add.f32.msk $0xffff, v4  }
0x76: {  	v5 =	vor.u32 $0x7, v3;
	v4 =	vld [tilespmem:s29+$0x18000];
	_ =	sdelay $0x4  }
0x77: {  	[tilespmem:v5+s15+$0x0] =	vst.idx.add.f32.msk $0xffff, v4  }
0x78: {  	v5 =	vor.u32 $0x8, v3;
	v4 =	vld [tilespmem:s28+$0x19000];
	_ =	sdelay $0x4  }
0x79: {  	[tilespmem:v5+s15+$0x0] =	vst.idx.add.f32.msk $0xffff, v4  }
0x7a: {  	v5 =	vor.u32 $0x9, v3;
	v4 =	vld [tilespmem:s28+$0x19080];
	_ =	sdelay $0x4  }
0x7b: {  	[tilespmem:v5+s15+$0x0] =	vst.idx.add.f32.msk $0xffff, v4  }
0x7c: {  	v5 =	vor.u32 $0xA, v3;
	v4 =	vld [tilespmem:s28+$0x19100];
	_ =	sdelay $0x4  }
0x7d: {  	[tilespmem:v5+s15+$0x0] =	vst.idx.add.f32.msk $0xffff, v4  }
0x7e: {  	v5 =	vor.u32 $0xB, v3;
	v4 =	vld [tilespmem:s28+$0x19180];
	_ =	sdelay $0x4  }
0x7f: {  	[tilespmem:v5+s15+$0x0] =	vst.idx.add.f32.msk $0xffff, v4  }
0x80: {  	v5 =	vor.u32 $0xC, v3;
	v4 =	vld [tilespmem:s28+$0x19200];
	_ =	sdelay $0x4  }
0x81: {  	[tilespmem:v5+s15+$0x0] =	vst.idx.add.f32.msk $0xffff, v4  }
0x82: {  	v5 =	vor.u32 $0xD, v3;
	v4 =	vld [tilespmem:s28+$0x19280];
	_ =	sdelay $0x4  }
0x83: {  	[tilespmem:v5+s15+$0x0] =	vst.idx.add.f32.msk $0xffff, v4  }
0x84: {  	v5 =	vor.u32 $0xE, v3;
	v4 =	vld [tilespmem:s28+$0x19300];
	_ =	sdelay $0x4  }
0x85: {  	[tilespmem:v5+s15+$0x0] =	vst.idx.add.f32.msk $0xffff, v4  }
.Ltmp1:
0x86: {  	v3 =	vor.u32 $0xF, v3;
	v4 =	vld [tilespmem:s28+$0x19380];
	(pc) =	sbr.rel @p0 .LBB2_4-.Ltmp1, $3  }
0x87: {  	_ =	sdelay $0x1  }
0x88: {  	s29 =	sand.u32 $0x180, s25  }
0x89: {  	s30 =	smov.u32 s26;
	s29 =	sadd.s32 s29, s7;
	s28 =	sand.u32 $0x70, s25  }
0x8a: {  	_ =	sdelay $0x3  }
0x8b: {  	s26 =	sadd.s32 s28, s29;
	[tilespmem:v3+s15+$0x0] =	vst.idx.add.f32.msk $0xffff, v4  }
0x8c: {  	v3 =	vld [tilespmem:s26+$0x0];
	_ =	sdelay $0x1  }
0x8d: {  	s24 =	sadd.s32 $0x80, s24  }
0x8e: {  	s31 =	sand.u32 $0xC00, s24  }
0x8f: {  	s26 =	sor.u32 s28, s31  }
0x90: {  	v4 =	vld [tilespmem:s26+$0x18000];
	v3 =	vshll.u32 v3, $0x4;
	_ =	sdelay $0x4  }
0x91: {  	[tilespmem:v3+s15+$0x0] =	vst.idx.add.f32.msk $0xffff, v4  }
0x92: {  	v5 =	vor.u32 $0x1, v3;
	v4 =	vld [tilespmem:s26+$0x18080];
	_ =	sdelay $0x4  }
0x93: {  	[tilespmem:v5+s15+$0x0] =	vst.idx.add.f32.msk $0xffff, v4  }
0x94: {  	v5 =	vor.u32 $0x2, v3;
	v4 =	vld [tilespmem:s26+$0x18100];
	_ =	sdelay $0x4  }
0x95: {  	[tilespmem:v5+s15+$0x0] =	vst.idx.add.f32.msk $0xffff, v4  }
0x96: {  	v5 =	vor.u32 $0x3, v3;
	v4 =	vld [tilespmem:s26+$0x18180];
	_ =	sdelay $0x4  }
0x97: {  	[tilespmem:v5+s15+$0x0] =	vst.idx.add.f32.msk $0xffff, v4  }
0x98: {  	v5 =	vor.u32 $0x4, v3;
	v4 =	vld [tilespmem:s26+$0x18200];
	_ =	sdelay $0x4  }
0x99: {  	[tilespmem:v5+s15+$0x0] =	vst.idx.add.f32.msk $0xffff, v4  }
0x9a: {  	v5 =	vor.u32 $0x5, v3;
	v4 =	vld [tilespmem:s26+$0x18280];
	_ =	sdelay $0x4  }
0x9b: {  	[tilespmem:v5+s15+$0x0] =	vst.idx.add.f32.msk $0xffff, v4  }
0x9c: {  	v5 =	vor.u32 $0x6, v3;
	v4 =	vld [tilespmem:s26+$0x18300];
	_ =	sdelay $0x3  }
0x9d: {  	s24 =	sor.u32 s24, s25  }
0x9e: {  	s24 =	sor.u32 $0x380, s24;
	[tilespmem:v5+s15+$0x0] =	vst.idx.add.f32.msk $0xffff, v4  }
0x9f: {  	v5 =	vor.u32 $0x7, v3;
	v4 =	vld [tilespmem:s24+$0x18000];
	_ =	sdelay $0x4  }
0xa0: {  	[tilespmem:v5+s15+$0x0] =	vst.idx.add.f32.msk $0xffff, v4  }
0xa1: {  	v5 =	vor.u32 $0x8, v3;
	v4 =	vld [tilespmem:s26+$0x19000];
	_ =	sdelay $0x4  }
0xa2: {  	[tilespmem:v5+s15+$0x0] =	vst.idx.add.f32.msk $0xffff, v4  }
0xa3: {  	v5 =	vor.u32 $0x9, v3;
	v4 =	vld [tilespmem:s26+$0x19080];
	_ =	sdelay $0x4  }
0xa4: {  	[tilespmem:v5+s15+$0x0] =	vst.idx.add.f32.msk $0xffff, v4  }
0xa5: {  	v5 =	vor.u32 $0xA, v3;
	v4 =	vld [tilespmem:s26+$0x19100];
	_ =	sdelay $0x4  }
0xa6: {  	[tilespmem:v5+s15+$0x0] =	vst.idx.add.f32.msk $0xffff, v4  }
0xa7: {  	v5 =	vor.u32 $0xB, v3;
	v4 =	vld [tilespmem:s26+$0x19180];
	_ =	sdelay $0x4  }
0xa8: {  	[tilespmem:v5+s15+$0x0] =	vst.idx.add.f32.msk $0xffff, v4  }
0xa9: {  	v5 =	vor.u32 $0xC, v3;
	v4 =	vld [tilespmem:s26+$0x19200];
	_ =	sdelay $0x4  }
0xaa: {  	[tilespmem:v5+s15+$0x0] =	vst.idx.add.f32.msk $0xffff, v4  }
0xab: {  	v5 =	vor.u32 $0xD, v3;
	v4 =	vld [tilespmem:s26+$0x19280];
	_ =	sdelay $0x4  }
0xac: {  	[tilespmem:v5+s15+$0x0] =	vst.idx.add.f32.msk $0xffff, v4  }
0xad: {  	v5 =	vor.u32 $0xE, v3;
	v4 =	vld [tilespmem:s26+$0x19300];
	_ =	sdelay $0x4  }
0xae: {  	[tilespmem:v5+s15+$0x0] =	vst.idx.add.f32.msk $0xffff, v4  }
0xaf: {  	v3 =	vor.u32 $0xF, v3;
	v4 =	vld [tilespmem:s26+$0x19380];
	_ =	sdelay $0x4  }
0xb0: {  	s24 =	simm.s32 $0x0;
	[tilespmem:v3+s15+$0x0] =	vst.idx.add.f32.msk $0xffff, v4  }
0xb1: {  	[tilespmem:s21], [sflag:$0x1] =	stream.strided.gather [hbm4b:s10+s19], $0x2000, s20, s19, $0x38;
	[tilespmem:$0x1E000] =	vst v63  }
0xb2: {  	s31 =	sand.u32 $0x180, s24;
	_ =	swait.ge [sflag:s14], $0x2000  }
0xb3: {  	s25 =	sadd.s32 s31, s8;
	s26 =	sand.u32 $0x70, s24;
	[sflag:s14] =	ssyncset.done $0x0  }
0xb4: {  	s25 =	sadd.s32 s26, s25;
	[sflag:s14] =	ssyncadd.s32 $0xFFFFE000  }
0xb5: {  	v3 =	vld [tilespmem:s25+$0x0];
	_ =	sdelay $0x2  }
0xb6: {  	s31 =	sand.u32 $0xC00, s24  }
0xb7: {  	s26 =	sor.u32 s26, s31  }
0xb8: {  	v4 =	vld [tilespmem:s26+$0x18000];
	v3 =	vshll.u32 v3, $0x4;
	_ =	sdelay $0x4  }
0xb9: {  	[tilespmem:v3+s15+$0x0] =	vst.idx.add.f32.msk $0xffff, v4  }
0xba: {  	v5 =	vor.u32 $0x1, v3;
	v4 =	vld [tilespmem:s26+$0x18080];
	_ =	sdelay $0x4  }
0xbb: {  	[tilespmem:v5+s15+$0x0] =	vst.idx.add.f32.msk $0xffff, v4  }
0xbc: {  	v5 =	vor.u32 $0x2, v3;
	v4 =	vld [tilespmem:s26+$0x18100];
	_ =	sdelay $0x4  }
0xbd: {  	[tilespmem:v5+s15+$0x0] =	vst.idx.add.f32.msk $0xffff, v4  }
0xbe: {  	v5 =	vor.u32 $0x3, v3;
	v4 =	vld [tilespmem:s26+$0x18180];
	_ =	sdelay $0x4  }
0xbf: {  	[tilespmem:v5+s15+$0x0] =	vst.idx.add.f32.msk $0xffff, v4  }
0xc0: {  	v5 =	vor.u32 $0x4, v3;
	v4 =	vld [tilespmem:s26+$0x18200];
	_ =	sdelay $0x4  }
0xc1: {  	[tilespmem:v5+s15+$0x0] =	vst.idx.add.f32.msk $0xffff, v4  }
0xc2: {  	v5 =	vor.u32 $0x5, v3;
	v4 =	vld [tilespmem:s26+$0x18280];
	_ =	sdelay $0x4  }
0xc3: {  	[tilespmem:v5+s15+$0x0] =	vst.idx.add.f32.msk $0xffff, v4  }
0xc4: {  	v5 =	vor.u32 $0x6, v3;
	v4 =	vld [tilespmem:s26+$0x18300];
	_ =	sdelay $0x3  }
0xc5: {  	s31 =	sor.u32 s24, s24  }
0xc6: {  	s25 =	sor.u32 $0x380, s31;
	[tilespmem:v5+s15+$0x0] =	vst.idx.add.f32.msk $0xffff, v4  }
0xc7: {  	v5 =	vor.u32 $0x7, v3;
	v4 =	vld [tilespmem:s25+$0x18000];
	_ =	sdelay $0x4  }
0xc8: {  	[tilespmem:v5+s15+$0x0] =	vst.idx.add.f32.msk $0xffff, v4  }
0xc9: {  	v5 =	vor.u32 $0x8, v3;
	v4 =	vld [tilespmem:s26+$0x19000];
	_ =	sdelay $0x4  }
0xca: {  	[tilespmem:v5+s15+$0x0] =	vst.idx.add.f32.msk $0xffff, v4  }
0xcb: {  	v5 =	vor.u32 $0x9, v3;
	v4 =	vld [tilespmem:s26+$0x19080];
	_ =	sdelay $0x4  }
0xcc: {  	[tilespmem:v5+s15+$0x0] =	vst.idx.add.f32.msk $0xffff, v4  }
0xcd: {  	v5 =	vor.u32 $0xA, v3;
	v4 =	vld [tilespmem:s26+$0x19100];
	_ =	sdelay $0x4  }
0xce: {  	[tilespmem:v5+s15+$0x0] =	vst.idx.add.f32.msk $0xffff, v4  }
0xcf: {  	v5 =	vor.u32 $0xB, v3;
	v4 =	vld [tilespmem:s26+$0x19180];
	_ =	sdelay $0x4  }
0xd0: {  	[tilespmem:v5+s15+$0x0] =	vst.idx.add.f32.msk $0xffff, v4  }
0xd1: {  	v5 =	vor.u32 $0xC, v3;
	v4 =	vld [tilespmem:s26+$0x19200];
	_ =	sdelay $0x4  }
0xd2: {  	[tilespmem:v5+s15+$0x0] =	vst.idx.add.f32.msk $0xffff, v4  }
0xd3: {  	v5 =	vor.u32 $0xD, v3;
	v4 =	vld [tilespmem:s26+$0x19280];
	_ =	sdelay $0x4  }
0xd4: {  	[tilespmem:v5+s15+$0x0] =	vst.idx.add.f32.msk $0xffff, v4  }
0xd5: {  	v5 =	vor.u32 $0xE, v3;
	v4 =	vld [tilespmem:s26+$0x19300];
	_ =	sdelay $0x4  }
0xd6: {  	[tilespmem:v5+s15+$0x0] =	vst.idx.add.f32.msk $0xffff, v4  }
0xd7: {  	v3 =	vor.u32 $0xF, v3;
	v4 =	vld [tilespmem:s26+$0x19380]  }
0xd8: {  	s25 =	simm.s32 $0x10  }
0xd9: {  	s29 =	sand.u32 $0x180, s25  }
0xda: {  	s30 =	simm.s32 $0x20;
	s28 =	sand.u32 $0x70, s25;
	s29 =	sadd.s32 s29, s8  }
.LBB2_6:
0xdb: {  	s31 =	sadd.s32 s28, s29  }
0xdc: {  	[tilespmem:v3+s15+$0x0] =	vst.idx.add.f32.msk $0xffff, v4;
	s24 =	sadd.s32 $0x80, s24;
	s29 =	smov.u32 s30;
	s26 =	sadd.s32 $0x10, s30  }
0xdd: {  	p0 =	sne.s32 s30, $0x1F0;
	v3 =	vld [tilespmem:s31+$0x0];
	_ =	sdelay $0x2  }
0xde: {  	s30 =	sand.u32 $0xC00, s24  }
0xdf: {  	s28 =	sor.u32 s28, s30  }
0xe0: {  	v3 =	vshll.u32 v3, $0x4;
	v4 =	vld [tilespmem:s28+$0x18000];
	_ =	sdelay $0x4  }
0xe1: {  	[tilespmem:v3+s15+$0x0] =	vst.idx.add.f32.msk $0xffff, v4  }
0xe2: {  	v5 =	vor.u32 $0x1, v3;
	v4 =	vld [tilespmem:s28+$0x18080];
	_ =	sdelay $0x4  }
0xe3: {  	[tilespmem:v5+s15+$0x0] =	vst.idx.add.f32.msk $0xffff, v4  }
0xe4: {  	v5 =	vor.u32 $0x2, v3;
	v4 =	vld [tilespmem:s28+$0x18100];
	_ =	sdelay $0x4  }
0xe5: {  	[tilespmem:v5+s15+$0x0] =	vst.idx.add.f32.msk $0xffff, v4  }
0xe6: {  	v5 =	vor.u32 $0x3, v3;
	v4 =	vld [tilespmem:s28+$0x18180];
	_ =	sdelay $0x4  }
0xe7: {  	[tilespmem:v5+s15+$0x0] =	vst.idx.add.f32.msk $0xffff, v4  }
0xe8: {  	v5 =	vor.u32 $0x4, v3;
	v4 =	vld [tilespmem:s28+$0x18200];
	_ =	sdelay $0x4  }
0xe9: {  	[tilespmem:v5+s15+$0x0] =	vst.idx.add.f32.msk $0xffff, v4  }
0xea: {  	v5 =	vor.u32 $0x5, v3;
	v4 =	vld [tilespmem:s28+$0x18280];
	_ =	sdelay $0x4  }
0xeb: {  	[tilespmem:v5+s15+$0x0] =	vst.idx.add.f32.msk $0xffff, v4  }
0xec: {  	v5 =	vor.u32 $0x6, v3;
	v4 =	vld [tilespmem:s28+$0x18300];
	_ =	sdelay $0x3  }
0xed: {  	s30 =	sor.u32 s24, s25;
	s25 =	smov.u32 s29  }
0xee: {  	s29 =	sor.u32 $0x380, s30;
	[tilespmem:v5+s15+$0x0] =	vst.idx.add.f32.msk $0xffff, v4  }
0xef: {  	v5 =	vor.u32 $0x7, v3;
	v4 =	vld [tilespmem:s29+$0x18000];
	_ =	sdelay $0x4  }
0xf0: {  	[tilespmem:v5+s15+$0x0] =	vst.idx.add.f32.msk $0xffff, v4  }
0xf1: {  	v5 =	vor.u32 $0x8, v3;
	v4 =	vld [tilespmem:s28+$0x19000];
	_ =	sdelay $0x4  }
0xf2: {  	[tilespmem:v5+s15+$0x0] =	vst.idx.add.f32.msk $0xffff, v4  }
0xf3: {  	v5 =	vor.u32 $0x9, v3;
	v4 =	vld [tilespmem:s28+$0x19080];
	_ =	sdelay $0x4  }
0xf4: {  	[tilespmem:v5+s15+$0x0] =	vst.idx.add.f32.msk $0xffff, v4  }
0xf5: {  	v5 =	vor.u32 $0xA, v3;
	v4 =	vld [tilespmem:s28+$0x19100];
	_ =	sdelay $0x4  }
0xf6: {  	[tilespmem:v5+s15+$0x0] =	vst.idx.add.f32.msk $0xffff, v4  }
0xf7: {  	v5 =	vor.u32 $0xB, v3;
	v4 =	vld [tilespmem:s28+$0x19180];
	_ =	sdelay $0x4  }
0xf8: {  	[tilespmem:v5+s15+$0x0] =	vst.idx.add.f32.msk $0xffff, v4  }
0xf9: {  	v5 =	vor.u32 $0xC, v3;
	v4 =	vld [tilespmem:s28+$0x19200];
	_ =	sdelay $0x4  }
0xfa: {  	[tilespmem:v5+s15+$0x0] =	vst.idx.add.f32.msk $0xffff, v4  }
0xfb: {  	v5 =	vor.u32 $0xD, v3;
	v4 =	vld [tilespmem:s28+$0x19280];
	_ =	sdelay $0x4  }
0xfc: {  	[tilespmem:v5+s15+$0x0] =	vst.idx.add.f32.msk $0xffff, v4  }
0xfd: {  	v5 =	vor.u32 $0xE, v3;
	v4 =	vld [tilespmem:s28+$0x19300];
	_ =	sdelay $0x4  }
0xfe: {  	[tilespmem:v5+s15+$0x0] =	vst.idx.add.f32.msk $0xffff, v4  }
.Ltmp2:
0xff: {  	v3 =	vor.u32 $0xF, v3;
	v4 =	vld [tilespmem:s28+$0x19380];
	(pc) =	sbr.rel @p0 .LBB2_6-.Ltmp2, $3  }
0x100: {  	_ =	sdelay $0x1  }
0x101: {  	s29 =	sand.u32 $0x180, s25  }
0x102: {  	s30 =	smov.u32 s26;
	s29 =	sadd.s32 s29, s8;
	s28 =	sand.u32 $0x70, s25  }
0x103: {  	_ =	sdelay $0x3  }
0x104: {  	s26 =	sadd.s32 s28, s29;
	[tilespmem:v3+s15+$0x0] =	vst.idx.add.f32.msk $0xffff, v4  }
0x105: {  	v3 =	vld [tilespmem:s26+$0x0];
	_ =	sdelay $0x1  }
0x106: {  	s24 =	sadd.s32 $0x80, s24  }
0x107: {  	s31 =	sand.u32 $0xC00, s24  }
0x108: {  	s26 =	sor.u32 s28, s31  }
0x109: {  	v4 =	vld [tilespmem:s26+$0x18000];
	v3 =	vshll.u32 v3, $0x4;
	_ =	sdelay $0x4  }
0x10a: {  	[tilespmem:v3+s15+$0x0] =	vst.idx.add.f32.msk $0xffff, v4  }
0x10b: {  	v5 =	vor.u32 $0x1, v3;
	v4 =	vld [tilespmem:s26+$0x18080];
	_ =	sdelay $0x4  }
0x10c: {  	[tilespmem:v5+s15+$0x0] =	vst.idx.add.f32.msk $0xffff, v4  }
0x10d: {  	v51 =	vor.u32 $0x2, v3;
	v4 =	vld [tilespmem:s26+$0x18100];
	_ =	sdelay $0x4  }
0x10e: {  	[tilespmem:v51+s15+$0x0] =	vst.idx.add.f32.msk $0xffff, v4  }
0x10f: {  	v52 =	vor.u32 $0x3, v3;
	v4 =	vld [tilespmem:s26+$0x18180];
	_ =	sdelay $0x4  }
0x110: {  	[tilespmem:v52+s15+$0x0] =	vst.idx.add.f32.msk $0xffff, v4  }
0x111: {  	v53 =	vor.u32 $0x4, v3;
	v4 =	vld [tilespmem:s26+$0x18200];
	_ =	sdelay $0x4  }
0x112: {  	[tilespmem:v53+s15+$0x0] =	vst.idx.add.f32.msk $0xffff, v4  }
0x113: {  	v54 =	vor.u32 $0x5, v3;
	v4 =	vld [tilespmem:s26+$0x18280];
	_ =	sdelay $0x4  }
0x114: {  	[tilespmem:v54+s15+$0x0] =	vst.idx.add.f32.msk $0xffff, v4  }
0x115: {  	v55 =	vor.u32 $0x6, v3;
	v4 =	vld [tilespmem:s26+$0x18300];
	_ =	sdelay $0x3  }
0x116: {  	s24 =	sor.u32 s24, s25  }
0x117: {  	s24 =	sor.u32 $0x380, s24;
	[tilespmem:v55+s15+$0x0] =	vst.idx.add.f32.msk $0xffff, v4  }
0x118: {  	v56 =	vor.u32 $0x7, v3;
	v4 =	vld [tilespmem:s24+$0x18000];
	_ =	sdelay $0x4  }
0x119: {  	[tilespmem:v56+s15+$0x0] =	vst.idx.add.f32.msk $0xffff, v4  }
0x11a: {  	v57 =	vor.u32 $0x8, v3;
	v4 =	vld [tilespmem:s26+$0x19000];
	_ =	sdelay $0x4  }
0x11b: {  	[tilespmem:v57+s15+$0x0] =	vst.idx.add.f32.msk $0xffff, v4  }
0x11c: {  	v58 =	vor.u32 $0x9, v3;
	v4 =	vld [tilespmem:s26+$0x19080];
	_ =	sdelay $0x4  }
0x11d: {  	[tilespmem:v58+s15+$0x0] =	vst.idx.add.f32.msk $0xffff, v4  }
0x11e: {  	v59 =	vor.u32 $0xA, v3;
	v4 =	vld [tilespmem:s26+$0x19100];
	_ =	sdelay $0x4  }
0x11f: {  	[tilespmem:v59+s15+$0x0] =	vst.idx.add.f32.msk $0xffff, v4  }
0x120: {  	v60 =	vor.u32 $0xB, v3;
	v4 =	vld [tilespmem:s26+$0x19180];
	_ =	sdelay $0x4  }
0x121: {  	[tilespmem:v60+s15+$0x0] =	vst.idx.add.f32.msk $0xffff, v4  }
0x122: {  	v61 =	vor.u32 $0xC, v3;
	v4 =	vld [tilespmem:s26+$0x19200];
	_ =	sdelay $0x4  }
0x123: {  	[tilespmem:v61+s15+$0x0] =	vst.idx.add.f32.msk $0xffff, v4  }
0x124: {  	v62 =	vor.u32 $0xD, v3;
	v4 =	vld [tilespmem:s26+$0x19280];
	_ =	sdelay $0x4  }
0x125: {  	[tilespmem:v62+s15+$0x0] =	vst.idx.add.f32.msk $0xffff, v4  }
0x126: {  	v63 =	vor.u32 $0xE, v3;
	v4 =	vld [tilespmem:s26+$0x19300];
	_ =	sdelay $0x4  }
0x127: {  	[tilespmem:v63+s15+$0x0] =	vst.idx.add.f32.msk $0xffff, v4  }
0x128: {  	v3 =	vor.u32 $0xF, v3;
	v4 =	vld [tilespmem:s26+$0x19380];
	_ =	sdelay $0x2  }
0x129: {  	s23 =	sadd.s32 $0x1, s23  }
0x12a: {  	p0 =	sne.s32 s23, s12  }
.Ltmp3:
0x12b: {  	[tilespmem:v3+s15+$0x0] =	vst.idx.add.f32.msk $0xffff, v4;
	(pc) =	sbr.rel @p0 .LBB2_1-.Ltmp3, $4  }
0x12c: {  	[hbm4b:s11+s16] =	stream.strided.scatter [tilespmem:s15], [sflag:$0x1], $0x4000, s22, s16, $0x38;
	[tilespmem:$0x1E000] =	vst v63  }
0x12d: {  	_ =	swait.ge [sflag:s14], $0x4000  }
0x12e: {  	[sflag:s14] =	ssyncset.done $0x0  }
0x12f: {  	[sflag:s14] =	ssyncadd.s32 $0xFFFFC000  }
0x130: {  	_ =	sfence.sel $0x180000  }
0x131: {  	[bflag:$0x0] =	sbarrier.arrive $0xFFFF  }
0x132: {  	p0 =	sne.s32 s2, $0x0;
	_ =	strace $0x90000047  }
0x133: {  	s0 =	sadd.s32 @!p0 $0x100000, s0;
	[bflag:$0x2] =	sbarrier.arrive $0xFFFF  }
0x134: {  	[sflag:s0] =	ssyncadd.tile.s32 @!p0 $0x1;
	_ =	shalt  }
.Lfunc_end2:
_tile_overlayer_lowered:
.L_overlay_start_2:
0x135: {  	(tag) =	ssettag $0x2  }
0x136: {  	s0 =	rddreg [dreg:$0x0];
	s2 =	stileid.u32  }
0x137: {  	s1 =	rddreg [dreg:$0x1];
	p0 =	sne.s32 s2, $0x0  }
0x138: {  	s3 =	rddreg [dreg:$0x2];
	[bflag:$0x3] =	sbarrier.arrive $0xFFFF;
	s2 =	simm.s32 @!p0 $0x1C01  }
0x139: {  	[timem:s3], [sflag:s2] =	dma.local @!p0 [hbm:s0], s1  }
0x13a: {  	s0 =	simm.s32 @!p0 $0x1  }
0x13b: {  	_ =	swait.ge @!p0 [sflag:s0], s1  }
0x13c: {  	s1 =	ssub.s32 @!p0 $0x0, s1;
	[sflag:s0] =	ssyncset.done @!p0 $0x0  }
0x13d: {  	[sflag:s0] =	ssyncadd.s32 @!p0 s1  }
0x13e: {  	[bflag:$0x3] =	sbarrier.arrive $0xFFFF  }
0x13f: {  	_ =	shalt  }

</sc_bundles>
